<compile_context>
chip_gen: v7x
topology: tpu7x:2x2x1
jax: 0.10.2.dev20260603
libtpu: 0.0.44.dev20260713+nightly
codegen_flags: <defaults>
</compile_context>

<pallas_src>
import functools

import jax
import jax.numpy as jnp
from jax import lax
from jax.experimental import pallas as pl
from jax.experimental.pallas import tpu as pltpu
from jax.experimental.pallas import tpu_sc as plsc

_TOP_N = 1000
_MAX_BOXES = 18
_NMS_THRESH = 0.5
_N_ANCHORS = 21600
_N_PAD = 22016
_B = 8
_NCHUNK = 4
_CHUNK = _N_PAD // _NCHUNK
_NVEC = _CHUNK // 16
_CCAP = 1024
_NC = _B * _NCHUNK * _CCAP // _B
_INT_MIN = -(2**31)
_BIG = 2**31 - 1


def _decode_thresh_body(score_ref, dx_ref, dy_ref, dw_ref, dh_ref,
                        xa_ref, ya_ref, wa_ref, ha_ref,
                        key_ref, x1_ref, y1_ref, x2_ref, y2_ref):
    score = score_ref[...]
    col = lax.broadcasted_iota(jnp.int32, (_B, _N_PAD), 1)
    valid = col < _N_ANCHORS

    bits = lax.bitcast_convert_type(score, jnp.int32)
    skey = jnp.where(bits >= 0, bits, bits ^ jnp.int32(0x7FFFFFFF))
    skey = jnp.where(valid, skey, _INT_MIN)
    key_ref[...] = skey

    xa = xa_ref[...]
    ya = ya_ref[...]
    wa = wa_ref[...]
    ha = ha_ref[...]
    cx = dx_ref[...] * wa + xa
    cy = dy_ref[...] * ha + ya
    w = wa * jnp.exp(dw_ref[...])
    h = ha * jnp.exp(dh_ref[...])
    x1_ref[...] = cx - w / 2.0
    y1_ref[...] = cy - h / 2.0
    x2_ref[...] = cx + w / 2.0
    y2_ref[...] = cy + h / 2.0

    def tstep(i, t):
        b = 31 - i
        cand = t + (jnp.int32(1) << b)
        cnt = jnp.sum((key_ref[...] >= cand).astype(jnp.int32),
                      axis=1, keepdims=True)
        return jnp.where(cnt >= _TOP_N, cand, t)

    thr = lax.fori_loop(0, 32, tstep, jnp.full((_B, 1), _INT_MIN, jnp.int32))

    c_gt = jnp.sum((skey > thr).astype(jnp.int32), axis=1, keepdims=True)
    c_eq = jnp.sum((skey == thr).astype(jnp.int32), axis=1, keepdims=True)
    need = _TOP_N - c_gt

    def istep(i, m):
        b = 14 - i
        test = m + (jnp.int32(1) << b) - 1
        sk = key_ref[...]
        cnt = jnp.sum(((sk == thr) & (col <= test)).astype(jnp.int32),
                      axis=1, keepdims=True)
        return jnp.where(cnt < need, m + (jnp.int32(1) << b), m)

    any_tie = jnp.max(c_eq - need)
    mloop = lax.fori_loop(0, jnp.where(any_tie > 0, 15, 0), istep,
                          jnp.zeros((_B, 1), jnp.int32))
    mcut = jnp.where(c_eq == need, jnp.int32(_BIG), mloop)
    not_cand = (skey < thr) | ((skey == thr) & (col > mcut))
    key_ref[...] = jnp.where(not_cand, _INT_MIN, skey)


def _decode_thresh(score, dx, dy, dw, dh, xa, ya, wa, ha):
    out_sds = [jax.ShapeDtypeStruct((_B, _N_PAD), jnp.int32)] + \
        [jax.ShapeDtypeStruct((_B, _N_PAD), jnp.float32)] * 4
    return pl.pallas_call(_decode_thresh_body, out_shape=out_sds)(
        score, dx, dy, dw, dh, xa, ya, wa, ha)


def _sc_compact(skeyc, x1, y1, x2, y2, score):
    mesh = plsc.VectorSubcoreMesh(core_axis_name="c", subcore_axis_name="s")
    i32 = jnp.int32
    f32 = jnp.float32
    nflat = _B * _NCHUNK * _CCAP
    out_type = [jax.ShapeDtypeStruct((nflat,), i32),
                jax.ShapeDtypeStruct((nflat,), i32)] + \
        [jax.ShapeDtypeStruct((nflat,), f32)] * 5
    scratch = [pltpu.VMEM((_CHUNK,), i32)] + \
        [pltpu.VMEM((_CHUNK,), f32)] * 5 + \
        [pltpu.VMEM((_CCAP,), i32), pltpu.VMEM((_CCAP,), i32)] + \
        [pltpu.VMEM((_CCAP,), f32)] * 5

    @functools.partial(pl.kernel, mesh=mesh, out_type=out_type,
                       scratch_types=scratch,
                       compiler_params=pltpu.CompilerParams(
                           needs_layout_passes=False))
    def k(skey_hbm, x1_hbm, y1_hbm, x2_hbm, y2_hbm, sc_hbm,
          ckey_hbm, ccol_hbm, cx1_hbm, cy1_hbm, cx2_hbm, cy2_hbm, csc_hbm,
          in_key, in_x1, in_y1, in_x2, in_y2, in_sc,
          o_key, o_col, o_x1, o_y1, o_x2, o_y2, o_sc):
        wid = lax.axis_index("s") * 2 + lax.axis_index("c")
        r = wid // _NCHUNK
        c = wid % _NCHUNK
        base = c * _CHUNK
        fbase = pl.multiple_of(r * _N_PAD + base, 128)
        pltpu.sync_copy(skey_hbm.at[pl.ds(fbase, _CHUNK)], in_key)
        pltpu.sync_copy(x1_hbm.at[pl.ds(fbase, _CHUNK)], in_x1)
        pltpu.sync_copy(y1_hbm.at[pl.ds(fbase, _CHUNK)], in_y1)
        pltpu.sync_copy(x2_hbm.at[pl.ds(fbase, _CHUNK)], in_x2)
        pltpu.sync_copy(y2_hbm.at[pl.ds(fbase, _CHUNK)], in_y2)
        pltpu.sync_copy(sc_hbm.at[pl.ds(fbase, _CHUNK)], in_sc)

        def initstep(i, z):
            o_key[pl.ds(i * 16, 16)] = jnp.full((16,), _INT_MIN, i32)
            return z

        lax.fori_loop(0, _CCAP // 16, initstep, jnp.int32(0))

        def cstep(i, lanecnt):
            m = in_key[pl.ds(i * 16, 16)] > _INT_MIN
            return lanecnt + m.astype(i32)

        lanecnt = lax.fori_loop(0, _NVEC, cstep, jnp.zeros((16,), i32))
        bases = plsc.cumsum(lanecnt) - lanecnt

        def wstep(i, wptr):
            sk = in_key[pl.ds(i * 16, 16)]
            m = sk > _INT_MIN
            colv = lax.iota(i32, 16) + (base + i * 16)
            plsc.store_scatter(o_key, [wptr], sk, mask=m)
            plsc.store_scatter(o_col, [wptr], colv, mask=m)
            plsc.store_scatter(o_x1, [wptr], in_x1[pl.ds(i * 16, 16)], mask=m)
            plsc.store_scatter(o_y1, [wptr], in_y1[pl.ds(i * 16, 16)], mask=m)
            plsc.store_scatter(o_x2, [wptr], in_x2[pl.ds(i * 16, 16)], mask=m)
            plsc.store_scatter(o_y2, [wptr], in_y2[pl.ds(i * 16, 16)], mask=m)
            plsc.store_scatter(o_sc, [wptr], in_sc[pl.ds(i * 16, 16)], mask=m)
            return wptr + m.astype(i32)

        lax.fori_loop(0, _NVEC, wstep, bases)

        obase = pl.multiple_of((r * _NCHUNK + c) * _CCAP, 128)
        pltpu.sync_copy(o_key, ckey_hbm.at[pl.ds(obase, _CCAP)])
        pltpu.sync_copy(o_col, ccol_hbm.at[pl.ds(obase, _CCAP)])
        pltpu.sync_copy(o_x1, cx1_hbm.at[pl.ds(obase, _CCAP)])
        pltpu.sync_copy(o_y1, cy1_hbm.at[pl.ds(obase, _CCAP)])
        pltpu.sync_copy(o_x2, cx2_hbm.at[pl.ds(obase, _CCAP)])
        pltpu.sync_copy(o_y2, cy2_hbm.at[pl.ds(obase, _CCAP)])
        pltpu.sync_copy(o_sc, csc_hbm.at[pl.ds(obase, _CCAP)])

    flat = lambda a: a.reshape(-1)
    outs = k(flat(skeyc), flat(x1), flat(y1), flat(x2), flat(y2), flat(score))
    return tuple(o.reshape(_B, _NCHUNK * _CCAP) for o in outs)


def _nms_compact_body(ckey_ref, ccol_ref, cx1_ref, cy1_ref, cx2_ref,
                      cy2_ref, csc_ref,
                      ocx_ref, ocy_ref, ow_ref, oh_ref, os_ref,
                      pkey_ref, rkey_ref, area_ref):
    ck = ckey_ref[...]
    pkey_ref[...] = ck
    rkey_ref[...] = ck
    x1 = cx1_ref[...]
    y1 = cy1_ref[...]
    x2 = cx2_ref[...]
    y2 = cy2_ref[...]
    area_ref[...] = (x2 - x1) * (y2 - y1)

    ccol = ccol_ref[...]
    iota18 = lax.broadcasted_iota(jnp.int32, (_B, _MAX_BOXES), 1)
    zeros18 = jnp.zeros((_B, _MAX_BOXES), jnp.float32)

    def gather_at(onehot, arr):
        return jnp.sum(jnp.where(onehot, arr, 0.0), axis=1, keepdims=True)

    def pick_step(t, carry):
        kx1, ky1, kx2, ky2, ks, nk = carry
        sk = pkey_ref[...]
        mx = jnp.max(sk, axis=1, keepdims=True)
        exists = mx > _INT_MIN
        pickm = (sk == mx) & exists
        j = jnp.min(jnp.where(pickm, ccol, _BIG), axis=1, keepdims=True)
        onehot = pickm & (ccol == j)
        x1v = cx1_ref[...]
        y1v = cy1_ref[...]
        x2v = cx2_ref[...]
        y2v = cy2_ref[...]
        gx1 = gather_at(onehot, x1v)
        gy1 = gather_at(onehot, y1v)
        gx2 = gather_at(onehot, x2v)
        gy2 = gather_at(onehot, y2v)
        gs = gather_at(onehot, csc_ref[...])
        xx1 = jnp.maximum(gx1, x1v)
        yy1 = jnp.maximum(gy1, y1v)
        xx2 = jnp.minimum(gx2, x2v)
        yy2 = jnp.minimum(gy2, y2v)
        ww = jnp.maximum(0.0, xx2 - xx1)
        hh = jnp.maximum(0.0, yy2 - yy1)
        ov = ww * hh / area_ref[...]
        dead = exists & ((ov > _NMS_THRESH) | onehot)
        pkey_ref[...] = jnp.where(dead, _INT_MIN, sk)
        slotm = (iota18 == t) & exists
        kx1 = jnp.where(slotm, gx1, kx1)
        ky1 = jnp.where(slotm, gy1, ky1)
        kx2 = jnp.where(slotm, gx2, kx2)
        ky2 = jnp.where(slotm, gy2, ky2)
        ks = jnp.where(slotm, gs, ks)
        nk = nk + exists.astype(jnp.int32)
        return kx1, ky1, kx2, ky2, ks, nk

    init = (zeros18, zeros18, zeros18, zeros18, zeros18,
            jnp.zeros((_B, 1), jnp.int32))
    kx1, ky1, kx2, ky2, ks, nk = lax.fori_loop(0, _MAX_BOXES, pick_step, init)

    def rank_step(rr, carry):
        px1, py1, px2, py2, psc = carry
        sk = rkey_ref[...]
        mx = jnp.max(sk, axis=1, keepdims=True)
        exists = mx > _INT_MIN
        pickm = (sk == mx) & exists
        j = jnp.min(jnp.where(pickm, ccol, _BIG), axis=1, keepdims=True)
        onehot = pickm & (ccol == j)
        rkey_ref[...] = jnp.where(onehot, _INT_MIN, sk)
        slotm = iota18 == (nk + rr)
        px1 = jnp.where(slotm, gather_at(onehot, cx1_ref[...]), px1)
        py1 = jnp.where(slotm, gather_at(onehot, cy1_ref[...]), py1)
        px2 = jnp.where(slotm, gather_at(onehot, cx2_ref[...]), px2)
        py2 = jnp.where(slotm, gather_at(onehot, cy2_ref[...]), py2)
        psc = jnp.where(slotm, gather_at(onehot, csc_ref[...]), psc)
        return px1, py1, px2, py2, psc

    keptm = iota18 < nk
    rinit = (jnp.where(keptm, kx1, 0.0), jnp.where(keptm, ky1, 0.0),
             jnp.where(keptm, kx2, 0.0), jnp.where(keptm, ky2, 0.0),
             jnp.where(keptm, ks, 0.0))
    n_pad_slots = _MAX_BOXES - jnp.min(nk)
    fx1, fy1, fx2, fy2, fsc = lax.fori_loop(0, n_pad_slots, rank_step, rinit)

    ocx_ref[...] = (fx1 + fx2) * 0.5
    ocy_ref[...] = (fy1 + fy2) * 0.5
    ow_ref[...] = fx2 - fx1
    oh_ref[...] = fy2 - fy1
    os_ref[...] = fsc


def _nms_compact(ckey, ccol, cx1, cy1, cx2, cy2, csc):
    out_sds = [jax.ShapeDtypeStruct((_B, _MAX_BOXES), jnp.float32)] * 5
    nslots = _NCHUNK * _CCAP
    return pl.pallas_call(
        _nms_compact_body,
        out_shape=out_sds,
        scratch_shapes=[pltpu.VMEM((_B, nslots), jnp.int32),
                        pltpu.VMEM((_B, nslots), jnp.int32),
                        pltpu.VMEM((_B, nslots), jnp.float32)],
    )(ckey, ccol, cx1, cy1, cx2, cy2, csc)


def kernel(x, anchor_boxes):
    npad = _N_PAD - _N_ANCHORS

    def pad_x(a):
        return jnp.pad(a, ((0, 0), (0, npad)))

    score = pad_x(x[:, :, 0])
    dx = pad_x(x[:, :, 2])
    dy = pad_x(x[:, :, 3])
    dw = pad_x(x[:, :, 4])
    dh = pad_x(x[:, :, 5])
    anc = jnp.transpose(anchor_boxes, (1, 0, 2, 3)).reshape(_N_ANCHORS, 4)

    def pad_a(a):
        return jnp.pad(a, (0, npad)).reshape(1, _N_PAD)

    xa = pad_a(anc[:, 0])
    ya = pad_a(anc[:, 1])
    wa = pad_a(anc[:, 2])
    ha = pad_a(anc[:, 3])
    skeyc, x1, y1, x2, y2 = _decode_thresh(
        score, dx, dy, dw, dh, xa, ya, wa, ha)
    ckey, ccol, cx1, cy1, cx2, cy2, csc = _sc_compact(
        skeyc, x1, y1, x2, y2, score)
    ocx, ocy, ow, oh, osc = _nms_compact(ckey, ccol, cx1, cy1, cx2, cy2, csc)
    return jnp.stack([ocx, ocy, ow, oh, osc], axis=-1)

# --- scband reference (transcript-rebuilt; emitter-appended) ---
"""Pipeline reference for scband-region-proposal-layer-51986284151190 (READ-ONLY COPY).

The authoritative reference and input builder live on the scoring server;
editing this copy changes nothing except your own understanding.
"""

import jax, jax.numpy as jnp
import numpy as np

TOP_N = 1000
MAX_BOXES = 18
NMS_THRESH = 0.5


def setup_inputs(seed: int = 0) -> dict:
    key = jax.random.key(seed)
    k1, k2 = jax.random.split(key)
    x = jax.random.normal(k1, (8, 21600, 6), dtype=jnp.float32)
    anchor_boxes = jax.random.uniform(k2, (60, 40, 9, 4), dtype=jnp.float32)
    return {"x": x, "anchor_boxes": anchor_boxes}


def _decode(ypred, anchor_boxes, idx):
    # idx: [K] flat anchor indices; replicate the module's index arithmetic
    q = idx // (60 * 9)
    sr = idx % 9
    p = (idx // 9) % 60
    box = anchor_boxes[p, q, sr]  # [K, 4] gather
    xa, ya, wa, ha = box[:, 0], box[:, 1], box[:, 2], box[:, 3]
    regr = ypred[idx, 2:6]
    dx, dy, dw, dh = regr[:, 0], regr[:, 1], regr[:, 2], regr[:, 3]
    cx = dx * wa + xa
    cy = dy * ha + ya
    w = wa * jnp.exp(dw)
    h = ha * jnp.exp(dh)
    score = ypred[idx, 0]
    return jnp.stack([cx, cy, w, h, score], axis=1)


def _nms_keep(boxes, thresh):
    # boxes: [n, 5] in xywhs, sorted descending by score.
    # Greedy NMS; criterion = intersection / area(candidate) > thresh (as in the module).
    x1 = boxes[:, 0] - boxes[:, 2] / 2.0
    y1 = boxes[:, 1] - boxes[:, 3] / 2.0
    x2 = boxes[:, 0] + boxes[:, 2] / 2.0
    y2 = boxes[:, 1] + boxes[:, 3] / 2.0
    area = (x2 - x1) * (y2 - y1)
    n = boxes.shape[0]
    ar = jnp.arange(n)

    def body(i, keep):
        xx1 = jnp.maximum(x1[i], x1)
        yy1 = jnp.maximum(y1[i], y1)
        xx2 = jnp.minimum(x2[i], x2)
        yy2 = jnp.minimum(y2[i], y2)
        ww = jnp.maximum(0.0, xx2 - xx1)
        hh = jnp.maximum(0.0, yy2 - yy1)
        overlap = ww * hh / area
        suppress = (overlap > thresh) & (ar > i) & keep[i]
        return keep & (~suppress)

    keep = jax.lax.fori_loop(0, n, body, jnp.ones((n,), dtype=bool))
    return keep


def _get_rps(ypred, anchor_boxes):
    scores = ypred[:, 0]
    order = jnp.argsort(-scores)  # descending by class score (tf.argsort DESCENDING)
    top = order[:TOP_N]
    decoded = _decode(ypred, anchor_boxes, top)  # [1000, 5], descending score
    keep = _nms_keep(jax.lax.stop_gradient(decoded), NMS_THRESH)
    # kept boxes in descending-score order (matches pick order of original NMS)
    kept_order = jnp.argsort(jnp.where(keep, jnp.arange(TOP_N), TOP_N))
    kept_idx = kept_order[:MAX_BOXES]
    n_kept = jnp.minimum(jnp.sum(keep.astype(jnp.int32)), MAX_BOXES)
    kept_boxes = decoded[kept_idx]
    # pad with top-scored decoded boxes (sorted_by_score[:boxes_needed]) as in the module
    slot = jnp.arange(MAX_BOXES)
    pad_idx = jnp.clip(slot - n_kept, 0, TOP_N - 1)
    pad_boxes = decoded[pad_idx]
    return jnp.where((slot < n_kept)[:, None], kept_boxes, pad_boxes)


def reference(x, anchor_boxes):
    # tf.map_fn over the batch -> vmap
    return jax.vmap(_get_rps, in_axes=(0, None))(x, anchor_boxes)

if __name__ == "__main__":
    import jax
    _d = setup_inputs()
    print(jax.jit(kernel)(*tuple(_d.values())))

</pallas_src>

<mosaic_0001>
#map = affine_map<(d0, d1) -> (0)>
module attributes {stable_mosaic.version = 14 : i64} {
  func.func @k(%arg0: i32, %arg1: i32, %arg2: memref<176128xi32, #tpu.memory_space<hbm>>, %arg3: memref<176128xf32, #tpu.memory_space<hbm>>, %arg4: memref<176128xf32, #tpu.memory_space<hbm>>, %arg5: memref<176128xf32, #tpu.memory_space<hbm>>, %arg6: memref<176128xf32, #tpu.memory_space<hbm>>, %arg7: memref<176128xf32, #tpu.memory_space<hbm>>, %arg8: memref<32768xi32, #tpu.memory_space<hbm>>, %arg9: memref<32768xi32, #tpu.memory_space<hbm>>, %arg10: memref<32768xf32, #tpu.memory_space<hbm>>, %arg11: memref<32768xf32, #tpu.memory_space<hbm>>, %arg12: memref<32768xf32, #tpu.memory_space<hbm>>, %arg13: memref<32768xf32, #tpu.memory_space<hbm>>, %arg14: memref<32768xf32, #tpu.memory_space<hbm>>, %arg15: memref<5504xi32, #tpu.memory_space<vmem>>, %arg16: memref<5504xf32, #tpu.memory_space<vmem>>, %arg17: memref<5504xf32, #tpu.memory_space<vmem>>, %arg18: memref<5504xf32, #tpu.memory_space<vmem>>, %arg19: memref<5504xf32, #tpu.memory_space<vmem>>, %arg20: memref<5504xf32, #tpu.memory_space<vmem>>, %arg21: memref<1024xi32, #tpu.memory_space<vmem>>, %arg22: memref<1024xi32, #tpu.memory_space<vmem>>, %arg23: memref<1024xf32, #tpu.memory_space<vmem>>, %arg24: memref<1024xf32, #tpu.memory_space<vmem>>, %arg25: memref<1024xf32, #tpu.memory_space<vmem>>, %arg26: memref<1024xf32, #tpu.memory_space<vmem>>, %arg27: memref<1024xf32, #tpu.memory_space<vmem>>) attributes {dimension_semantics = [#tpu.dimension_semantics<core_parallel>, #tpu.dimension_semantics<subcore_parallel>], iteration_bounds = array<i64: 2, 16>, scalar_prefetch = 0 : i64, scratch_operands = 13 : i64, tpu.core_type = #tpu.core_type<sc_vector_subcore>, window_params = [{transform_indices = #map}, {transform_indices = #map}, {transform_indices = #map}, {transform_indices = #map}, {transform_indices = #map}, {transform_indices = #map}, {transform_indices = #map}, {transform_indices = #map}, {transform_indices = #map}, {transform_indices = #map}, {transform_indices = #map}, {transform_indices = #map}, {transform_indices = #map}]} {
    %mul3A = arith.constant 2 : i32
    %mul3A_0 = arith.muli %arg1, %mul3A : i32
    %add3A = arith.addi %mul3A_0, %arg0 : i32
    %jit3A = arith.constant 4 : i32
    %div3A = arith.divsi %add3A, %jit3A : i32
    %sign3A = arith.constant 0 : i32
    %sign3A_1 = arith.cmpi sgt, %add3A, %sign3A : i32
    %sign3A_2 = arith.extui %sign3A_1 : i1 to i32
    %sign3A_3 = arith.constant 0 : i32
    %sign3A_4 = arith.cmpi slt, %add3A, %sign3A_3 : i32
    %sign3A_5 = arith.extui %sign3A_4 : i1 to i32
    %sign3A_6 = arith.subi %sign3A_2, %sign3A_5 : i32
    %sign3A_7 = arith.constant 0 : i32
    %sign3A_8 = arith.cmpi sgt, %jit3A, %sign3A_7 : i32
    %sign3A_9 = arith.extui %sign3A_8 : i1 to i32
    %sign3A_10 = arith.constant 0 : i32
    %sign3A_11 = arith.cmpi slt, %jit3A, %sign3A_10 : i32
    %sign3A_12 = arith.extui %sign3A_11 : i1 to i32
    %sign3A_13 = arith.subi %sign3A_9, %sign3A_12 : i32
    %ne3A = arith.cmpi ne, %sign3A_6, %sign3A_13 : i32
    %rem3A = arith.remsi %add3A, %jit3A : i32
    %ne3A_14 = arith.constant 0 : i32
    %ne3A_15 = arith.cmpi ne, %rem3A, %ne3A_14 : i32
    %and3A = arith.andi %ne3A, %ne3A_15 : i1
    %sub3A = arith.constant 1 : i32
    %sub3A_16 = arith.subi %div3A, %sub3A : i32
    %select_n3A = arith.select %and3A, %sub3A_16, %div3A : i32
    %jit3A_17 = arith.constant 4 : i32
    %eq3A = arith.constant 0 : i32
    %eq3A_18 = arith.cmpi eq, %jit3A_17, %eq3A : i32
    %jit3A_19 = arith.constant 1 : i32
    %select_n3A_20 = arith.select %eq3A_18, %jit3A_19, %jit3A_17 : i32
    %rem3A_21 = arith.remsi %add3A, %select_n3A_20 : i32
    %ne3A_22 = arith.constant 0 : i32
    %ne3A_23 = arith.cmpi ne, %rem3A_21, %ne3A_22 : i32
    %lt3A = arith.constant 0 : i32
    %lt3A_24 = arith.cmpi slt, %rem3A_21, %lt3A : i32
    %lt3A_25 = arith.constant 0 : i32
    %lt3A_26 = arith.cmpi slt, %select_n3A_20, %lt3A_25 : i32
    %ne3A_27 = arith.xori %lt3A_24, %lt3A_26 : i1
    %and3A_28 = arith.andi %ne3A_27, %ne3A_23 : i1
    %add3A_29 = arith.addi %rem3A_21, %select_n3A_20 : i32
    %select_n3A_30 = arith.select %and3A_28, %add3A_29, %rem3A_21 : i32
    %mul3A_31 = arith.constant 5504 : i32
    %mul3A_32 = arith.muli %select_n3A_30, %mul3A_31 : i32
    %mul3A_33 = arith.constant 22016 : i32
    %mul3A_34 = arith.muli %select_n3A, %mul3A_33 : i32
    %add3A_35 = arith.addi %mul3A_34, %mul3A_32 : i32
    %multiple_of3A = tpu.assume_multiple %add3A_35, 128 : i32
    "tpu.region"() ({
      %run_scoped3A = tpu.sem_alloc : memref<!tpu.dma_semaphore, #tpu.memory_space<semaphore_mem>>
      %dma_start3A = tpu.memref_slice %arg2[%multiple_of3A] : memref<176128xi32, #tpu.memory_space<hbm>> -> memref<5504xi32, #tpu.memory_space<hbm>>
      %dma_start3A_63 = tpu.memref_slice %arg2[%multiple_of3A] : memref<176128xi32, #tpu.memory_space<hbm>> -> memref<5504xi32, #tpu.memory_space<hbm>>
      tpu.enqueue_dma source(%dma_start3A_63 : memref<5504xi32, #tpu.memory_space<hbm>>) target(%arg15 : memref<5504xi32, #tpu.memory_space<vmem>>) target_semaphore(%run_scoped3A : memref<!tpu.dma_semaphore, #tpu.memory_space<semaphore_mem>>)
      %dma_wait3A = tpu.memref_slice %arg2[%multiple_of3A] : memref<176128xi32, #tpu.memory_space<hbm>> -> memref<5504xi32, #tpu.memory_space<hbm>>
      %dma_wait3A_64 = tpu.memref_slice %arg2[%multiple_of3A] : memref<176128xi32, #tpu.memory_space<hbm>> -> memref<5504xi32, #tpu.memory_space<hbm>>
      tpu.wait_dma2 semaphore(%run_scoped3A : memref<!tpu.dma_semaphore, #tpu.memory_space<semaphore_mem>>) src(%dma_wait3A_64 : memref<5504xi32, #tpu.memory_space<hbm>>) dst(%arg15 : memref<5504xi32, #tpu.memory_space<vmem>>)
      tpu.yield
    }) : () -> ()
    "tpu.region"() ({
      %run_scoped3A = tpu.sem_alloc : memref<!tpu.dma_semaphore, #tpu.memory_space<semaphore_mem>>
      %dma_start3A = tpu.memref_slice %arg3[%multiple_of3A] : memref<176128xf32, #tpu.memory_space<hbm>> -> memref<5504xf32, #tpu.memory_space<hbm>>
      %dma_start3A_63 = tpu.memref_slice %arg3[%multiple_of3A] : memref<176128xf32, #tpu.memory_space<hbm>> -> memref<5504xf32, #tpu.memory_space<hbm>>
      tpu.enqueue_dma source(%dma_start3A_63 : memref<5504xf32, #tpu.memory_space<hbm>>) target(%arg16 : memref<5504xf32, #tpu.memory_space<vmem>>) target_semaphore(%run_scoped3A : memref<!tpu.dma_semaphore, #tpu.memory_space<semaphore_mem>>)
      %dma_wait3A = tpu.memref_slice %arg3[%multiple_of3A] : memref<176128xf32, #tpu.memory_space<hbm>> -> memref<5504xf32, #tpu.memory_space<hbm>>
      %dma_wait3A_64 = tpu.memref_slice %arg3[%multiple_of3A] : memref<176128xf32, #tpu.memory_space<hbm>> -> memref<5504xf32, #tpu.memory_space<hbm>>
      tpu.wait_dma2 semaphore(%run_scoped3A : memref<!tpu.dma_semaphore, #tpu.memory_space<semaphore_mem>>) src(%dma_wait3A_64 : memref<5504xf32, #tpu.memory_space<hbm>>) dst(%arg16 : memref<5504xf32, #tpu.memory_space<vmem>>)
      tpu.yield
    }) : () -> ()
    "tpu.region"() ({
      %run_scoped3A = tpu.sem_alloc : memref<!tpu.dma_semaphore, #tpu.memory_space<semaphore_mem>>
      %dma_start3A = tpu.memref_slice %arg4[%multiple_of3A] : memref<176128xf32, #tpu.memory_space<hbm>> -> memref<5504xf32, #tpu.memory_space<hbm>>
      %dma_start3A_63 = tpu.memref_slice %arg4[%multiple_of3A] : memref<176128xf32, #tpu.memory_space<hbm>> -> memref<5504xf32, #tpu.memory_space<hbm>>
      tpu.enqueue_dma source(%dma_start3A_63 : memref<5504xf32, #tpu.memory_space<hbm>>) target(%arg17 : memref<5504xf32, #tpu.memory_space<vmem>>) target_semaphore(%run_scoped3A : memref<!tpu.dma_semaphore, #tpu.memory_space<semaphore_mem>>)
      %dma_wait3A = tpu.memref_slice %arg4[%multiple_of3A] : memref<176128xf32, #tpu.memory_space<hbm>> -> memref<5504xf32, #tpu.memory_space<hbm>>
      %dma_wait3A_64 = tpu.memref_slice %arg4[%multiple_of3A] : memref<176128xf32, #tpu.memory_space<hbm>> -> memref<5504xf32, #tpu.memory_space<hbm>>
      tpu.wait_dma2 semaphore(%run_scoped3A : memref<!tpu.dma_semaphore, #tpu.memory_space<semaphore_mem>>) src(%dma_wait3A_64 : memref<5504xf32, #tpu.memory_space<hbm>>) dst(%arg17 : memref<5504xf32, #tpu.memory_space<vmem>>)
      tpu.yield
    }) : () -> ()
    "tpu.region"() ({
      %run_scoped3A = tpu.sem_alloc : memref<!tpu.dma_semaphore, #tpu.memory_space<semaphore_mem>>
      %dma_start3A = tpu.memref_slice %arg5[%multiple_of3A] : memref<176128xf32, #tpu.memory_space<hbm>> -> memref<5504xf32, #tpu.memory_space<hbm>>
      %dma_start3A_63 = tpu.memref_slice %arg5[%multiple_of3A] : memref<176128xf32, #tpu.memory_space<hbm>> -> memref<5504xf32, #tpu.memory_space<hbm>>
      tpu.enqueue_dma source(%dma_start3A_63 : memref<5504xf32, #tpu.memory_space<hbm>>) target(%arg18 : memref<5504xf32, #tpu.memory_space<vmem>>) target_semaphore(%run_scoped3A : memref<!tpu.dma_semaphore, #tpu.memory_space<semaphore_mem>>)
      %dma_wait3A = tpu.memref_slice %arg5[%multiple_of3A] : memref<176128xf32, #tpu.memory_space<hbm>> -> memref<5504xf32, #tpu.memory_space<hbm>>
      %dma_wait3A_64 = tpu.memref_slice %arg5[%multiple_of3A] : memref<176128xf32, #tpu.memory_space<hbm>> -> memref<5504xf32, #tpu.memory_space<hbm>>
      tpu.wait_dma2 semaphore(%run_scoped3A : memref<!tpu.dma_semaphore, #tpu.memory_space<semaphore_mem>>) src(%dma_wait3A_64 : memref<5504xf32, #tpu.memory_space<hbm>>) dst(%arg18 : memref<5504xf32, #tpu.memory_space<vmem>>)
      tpu.yield
    }) : () -> ()
    "tpu.region"() ({
      %run_scoped3A = tpu.sem_alloc : memref<!tpu.dma_semaphore, #tpu.memory_space<semaphore_mem>>
      %dma_start3A = tpu.memref_slice %arg6[%multiple_of3A] : memref<176128xf32, #tpu.memory_space<hbm>> -> memref<5504xf32, #tpu.memory_space<hbm>>
      %dma_start3A_63 = tpu.memref_slice %arg6[%multiple_of3A] : memref<176128xf32, #tpu.memory_space<hbm>> -> memref<5504xf32, #tpu.memory_space<hbm>>
      tpu.enqueue_dma source(%dma_start3A_63 : memref<5504xf32, #tpu.memory_space<hbm>>) target(%arg19 : memref<5504xf32, #tpu.memory_space<vmem>>) target_semaphore(%run_scoped3A : memref<!tpu.dma_semaphore, #tpu.memory_space<semaphore_mem>>)
      %dma_wait3A = tpu.memref_slice %arg6[%multiple_of3A] : memref<176128xf32, #tpu.memory_space<hbm>> -> memref<5504xf32, #tpu.memory_space<hbm>>
      %dma_wait3A_64 = tpu.memref_slice %arg6[%multiple_of3A] : memref<176128xf32, #tpu.memory_space<hbm>> -> memref<5504xf32, #tpu.memory_space<hbm>>
      tpu.wait_dma2 semaphore(%run_scoped3A : memref<!tpu.dma_semaphore, #tpu.memory_space<semaphore_mem>>) src(%dma_wait3A_64 : memref<5504xf32, #tpu.memory_space<hbm>>) dst(%arg19 : memref<5504xf32, #tpu.memory_space<vmem>>)
      tpu.yield
    }) : () -> ()
    "tpu.region"() ({
      %run_scoped3A = tpu.sem_alloc : memref<!tpu.dma_semaphore, #tpu.memory_space<semaphore_mem>>
      %dma_start3A = tpu.memref_slice %arg7[%multiple_of3A] : memref<176128xf32, #tpu.memory_space<hbm>> -> memref<5504xf32, #tpu.memory_space<hbm>>
      %dma_start3A_63 = tpu.memref_slice %arg7[%multiple_of3A] : memref<176128xf32, #tpu.memory_space<hbm>> -> memref<5504xf32, #tpu.memory_space<hbm>>
      tpu.enqueue_dma source(%dma_start3A_63 : memref<5504xf32, #tpu.memory_space<hbm>>) target(%arg20 : memref<5504xf32, #tpu.memory_space<vmem>>) target_semaphore(%run_scoped3A : memref<!tpu.dma_semaphore, #tpu.memory_space<semaphore_mem>>)
      %dma_wait3A = tpu.memref_slice %arg7[%multiple_of3A] : memref<176128xf32, #tpu.memory_space<hbm>> -> memref<5504xf32, #tpu.memory_space<hbm>>
      %dma_wait3A_64 = tpu.memref_slice %arg7[%multiple_of3A] : memref<176128xf32, #tpu.memory_space<hbm>> -> memref<5504xf32, #tpu.memory_space<hbm>>
      tpu.wait_dma2 semaphore(%run_scoped3A : memref<!tpu.dma_semaphore, #tpu.memory_space<semaphore_mem>>) src(%dma_wait3A_64 : memref<5504xf32, #tpu.memory_space<hbm>>) dst(%arg20 : memref<5504xf32, #tpu.memory_space<vmem>>)
      tpu.yield
    }) : () -> ()
    %scan3A = arith.constant 0 : i32
    %scan3A_36 = arith.constant 0 : i32
    %scan3A_37 = arith.constant 64 : i32
    %scan3A_38 = arith.addi %scan3A_36, %scan3A_37 : i32
    %scan3A_39 = arith.constant 1 : i32
    scf.for %scan3A_63 = %scan3A_36 to %scan3A_38 step %scan3A_39  : i32 {
      %broadcast_in_dim3A_64 = arith.constant -2147483648 : i32
      %broadcast_in_dim3A_65 = vector.broadcast %broadcast_in_dim3A_64 : i32 to vector<16xi32>
      %mul3A_66 = arith.constant 16 : i32
      %mul3A_67 = arith.muli %scan3A_63, %mul3A_66 : i32
      %swap3A = arith.index_cast %mul3A_67 : i32 to index
      %swap3A_68 = tpu.vector_load %arg21[%swap3A] {strides = array<i32>} : memref<1024xi32, #tpu.memory_space<vmem>>, vector<16xi32>,
      tpu.vector_store %arg21[%swap3A], %broadcast_in_dim3A_65 {strides = array<i32>} : memref<1024xi32, #tpu.memory_space<vmem>>, vector<16xi32>,
    }
    %scan3A_40 = arith.constant 64 : i32
    %broadcast_in_dim3A = arith.constant 0 : i32
    %broadcast_in_dim3A_41 = vector.broadcast %broadcast_in_dim3A : i32 to vector<16xi32>
    %scan3A_42 = arith.constant 0 : i32
    %scan3A_43 = arith.constant 344 : i32
    %scan3A_44 = arith.addi %scan3A_42, %scan3A_43 : i32
    %scan3A_45 = arith.constant 1 : i32
    %scan3A_46 = scf.for %scan3A_63 = %scan3A_42 to %scan3A_44 step %scan3A_45 iter_args(%scan3A_64 = %broadcast_in_dim3A_41) -> (vector<16xi32>)  : i32 {
      %mul3A_65 = arith.constant 16 : i32
      %mul3A_66 = arith.muli %scan3A_63, %mul3A_65 : i32
      %get3A = arith.index_cast %mul3A_66 : i32 to index
      %get3A_67 = tpu.vector_load %arg15[%get3A] {strides = array<i32>} : memref<5504xi32, #tpu.memory_space<vmem>>, vector<16xi32>,
      %gt3A = arith.constant -2147483648 : i32
      %gt3A_68 = vector.broadcast %gt3A : i32 to vector<16xi32>
      %gt3A_69 = arith.cmpi sgt, %get3A_67, %gt3A_68 : vector<16xi32>
      %convert_element_type3A = arith.extui %gt3A_69 : vector<16xi1> to vector<16xi32>
      %add3A_70 = arith.addi %scan3A_64, %convert_element_type3A : vector<16xi32>
      scf.yield %add3A_70 : vector<16xi32>
    }
    %scan3A_47 = arith.constant 344 : i32
    %broadcast_in_dim3A_48 = arith.constant true
    %broadcast_in_dim3A_49 = vector.broadcast %broadcast_in_dim3A_48 : i1 to vector<16xi1>
    %masked_cumsum3A = tpu.scan <sum>, %scan3A_46 masked %broadcast_in_dim3A_49 : vector<16xi32>, vector<16xi1> -> vector<16xi32>
    %sub3A_50 = arith.subi %masked_cumsum3A, %scan3A_46 : vector<16xi32>
    %scan3A_51 = arith.constant 0 : i32
    %scan3A_52 = arith.constant 344 : i32
    %scan3A_53 = arith.addi %scan3A_51, %scan3A_52 : i32
    %scan3A_54 = arith.constant 1 : i32
    %scan3A_55 = scf.for %scan3A_63 = %scan3A_51 to %scan3A_53 step %scan3A_54 iter_args(%scan3A_64 = %sub3A_50) -> (vector<16xi32>)  : i32 {
      %mul3A_65 = arith.constant 16 : i32
      %mul3A_66 = arith.muli %scan3A_63, %mul3A_65 : i32
      %get3A = arith.index_cast %mul3A_66 : i32 to index
      %get3A_67 = tpu.vector_load %arg15[%get3A] {strides = array<i32>} : memref<5504xi32, #tpu.memory_space<vmem>>, vector<16xi32>,
      %gt3A = arith.constant -2147483648 : i32
      %gt3A_68 = vector.broadcast %gt3A : i32 to vector<16xi32>
      %gt3A_69 = arith.cmpi sgt, %get3A_67, %gt3A_68 : vector<16xi32>
      %iota3A = tpu.iota {dimensions = array<i32: 0>} : vector<16xi32>
      %mul3A_70 = arith.constant 16 : i32
      %mul3A_71 = arith.muli %scan3A_63, %mul3A_70 : i32
      %add3A_72 = arith.addi %mul3A_32, %mul3A_71 : i32
      %add3A_73 = vector.broadcast %add3A_72 : i32 to vector<16xi32>
      %add3A_74 = arith.addi %iota3A, %add3A_73 : vector<16xi32>
      tpu.vector_store_idx %arg21[%scan3A_64], %get3A_67 masked %gt3A_69 : memref<1024xi32, #tpu.memory_space<vmem>>[vector<16xi32>], vector<16xi32>, vector<16xi1>
      tpu.vector_store_idx %arg22[%scan3A_64], %add3A_74 masked %gt3A_69 : memref<1024xi32, #tpu.memory_space<vmem>>[vector<16xi32>], vector<16xi32>, vector<16xi1>
      %mul3A_75 = arith.constant 16 : i32
      %mul3A_76 = arith.muli %scan3A_63, %mul3A_75 : i32
      %get3A_77 = arith.index_cast %mul3A_76 : i32 to index
      %get3A_78 = tpu.vector_load %arg16[%get3A_77] {strides = array<i32>} : memref<5504xf32, #tpu.memory_space<vmem>>, vector<16xf32>,
      tpu.vector_store_idx %arg23[%scan3A_64], %get3A_78 masked %gt3A_69 : memref<1024xf32, #tpu.memory_space<vmem>>[vector<16xi32>], vector<16xf32>, vector<16xi1>
      %mul3A_79 = arith.constant 16 : i32
      %mul3A_80 = arith.muli %scan3A_63, %mul3A_79 : i32
      %get3A_81 = arith.index_cast %mul3A_80 : i32 to index
      %get3A_82 = tpu.vector_load %arg17[%get3A_81] {strides = array<i32>} : memref<5504xf32, #tpu.memory_space<vmem>>, vector<16xf32>,
      tpu.vector_store_idx %arg24[%scan3A_64], %get3A_82 masked %gt3A_69 : memref<1024xf32, #tpu.memory_space<vmem>>[vector<16xi32>], vector<16xf32>, vector<16xi1>
      %mul3A_83 = arith.constant 16 : i32
      %mul3A_84 = arith.muli %scan3A_63, %mul3A_83 : i32
      %get3A_85 = arith.index_cast %mul3A_84 : i32 to index
      %get3A_86 = tpu.vector_load %arg18[%get3A_85] {strides = array<i32>} : memref<5504xf32, #tpu.memory_space<vmem>>, vector<16xf32>,
      tpu.vector_store_idx %arg25[%scan3A_64], %get3A_86 masked %gt3A_69 : memref<1024xf32, #tpu.memory_space<vmem>>[vector<16xi32>], vector<16xf32>, vector<16xi1>
      %mul3A_87 = arith.constant 16 : i32
      %mul3A_88 = arith.muli %scan3A_63, %mul3A_87 : i32
      %get3A_89 = arith.index_cast %mul3A_88 : i32 to index
      %get3A_90 = tpu.vector_load %arg19[%get3A_89] {strides = array<i32>} : memref<5504xf32, #tpu.memory_space<vmem>>, vector<16xf32>,
      tpu.vector_store_idx %arg26[%scan3A_64], %get3A_90 masked %gt3A_69 : memref<1024xf32, #tpu.memory_space<vmem>>[vector<16xi32>], vector<16xf32>, vector<16xi1>
      %mul3A_91 = arith.constant 16 : i32
      %mul3A_92 = arith.muli %scan3A_63, %mul3A_91 : i32
      %get3A_93 = arith.index_cast %mul3A_92 : i32 to index
      %get3A_94 = tpu.vector_load %arg20[%get3A_93] {strides = array<i32>} : memref<5504xf32, #tpu.memory_space<vmem>>, vector<16xf32>,
      tpu.vector_store_idx %arg27[%scan3A_64], %get3A_94 masked %gt3A_69 : memref<1024xf32, #tpu.memory_space<vmem>>[vector<16xi32>], vector<16xf32>, vector<16xi1>
      %convert_element_type3A = arith.extui %gt3A_69 : vector<16xi1> to vector<16xi32>
      %add3A_95 = arith.addi %scan3A_64, %convert_element_type3A : vector<16xi32>
      scf.yield %add3A_95 : vector<16xi32>
    }
    %scan3A_56 = arith.constant 344 : i32
    %mul3A_57 = arith.constant 4 : i32
    %mul3A_58 = arith.muli %select_n3A, %mul3A_57 : i32
    %add3A_59 = arith.addi %mul3A_58, %select_n3A_30 : i32
    %mul3A_60 = arith.constant 1024 : i32
    %mul3A_61 = arith.muli %add3A_59, %mul3A_60 : i32
    %multiple_of3A_62 = tpu.assume_multiple %mul3A_61, 128 : i32
    "tpu.region"() ({
      %run_scoped3A = tpu.sem_alloc : memref<!tpu.dma_semaphore, #tpu.memory_space<semaphore_mem>>
      %dma_start3A = tpu.memref_slice %arg8[%multiple_of3A_62] : memref<32768xi32, #tpu.memory_space<hbm>> -> memref<1024xi32, #tpu.memory_space<hbm>>
      %dma_start3A_63 = tpu.memref_slice %arg8[%multiple_of3A_62] : memref<32768xi32, #tpu.memory_space<hbm>> -> memref<1024xi32, #tpu.memory_space<hbm>>
      tpu.enqueue_dma source(%arg21 : memref<1024xi32, #tpu.memory_space<vmem>>) target(%dma_start3A_63 : memref<1024xi32, #tpu.memory_space<hbm>>) target_semaphore(%run_scoped3A : memref<!tpu.dma_semaphore, #tpu.memory_space<semaphore_mem>>)
      %dma_wait3A = tpu.memref_slice %arg8[%multiple_of3A_62] : memref<32768xi32, #tpu.memory_space<hbm>> -> memref<1024xi32, #tpu.memory_space<hbm>>
      %dma_wait3A_64 = tpu.memref_slice %arg8[%multiple_of3A_62] : memref<32768xi32, #tpu.memory_space<hbm>> -> memref<1024xi32, #tpu.memory_space<hbm>>
      tpu.wait_dma2 semaphore(%run_scoped3A : memref<!tpu.dma_semaphore, #tpu.memory_space<semaphore_mem>>) src(%arg21 : memref<1024xi32, #tpu.memory_space<vmem>>) dst(%dma_wait3A_64 : memref<1024xi32, #tpu.memory_space<hbm>>)
      tpu.yield
    }) : () -> ()
    "tpu.region"() ({
      %run_scoped3A = tpu.sem_alloc : memref<!tpu.dma_semaphore, #tpu.memory_space<semaphore_mem>>
      %dma_start3A = tpu.memref_slice %arg9[%multiple_of3A_62] : memref<32768xi32, #tpu.memory_space<hbm>> -> memref<1024xi32, #tpu.memory_space<hbm>>
      %dma_start3A_63 = tpu.memref_slice %arg9[%multiple_of3A_62] : memref<32768xi32, #tpu.memory_space<hbm>> -> memref<1024xi32, #tpu.memory_space<hbm>>
      tpu.enqueue_dma source(%arg22 : memref<1024xi32, #tpu.memory_space<vmem>>) target(%dma_start3A_63 : memref<1024xi32, #tpu.memory_space<hbm>>) target_semaphore(%run_scoped3A : memref<!tpu.dma_semaphore, #tpu.memory_space<semaphore_mem>>)
      %dma_wait3A = tpu.memref_slice %arg9[%multiple_of3A_62] : memref<32768xi32, #tpu.memory_space<hbm>> -> memref<1024xi32, #tpu.memory_space<hbm>>
      %dma_wait3A_64 = tpu.memref_slice %arg9[%multiple_of3A_62] : memref<32768xi32, #tpu.memory_space<hbm>> -> memref<1024xi32, #tpu.memory_space<hbm>>
      tpu.wait_dma2 semaphore(%run_scoped3A : memref<!tpu.dma_semaphore, #tpu.memory_space<semaphore_mem>>) src(%arg22 : memref<1024xi32, #tpu.memory_space<vmem>>) dst(%dma_wait3A_64 : memref<1024xi32, #tpu.memory_space<hbm>>)
      tpu.yield
    }) : () -> ()
    "tpu.region"() ({
      %run_scoped3A = tpu.sem_alloc : memref<!tpu.dma_semaphore, #tpu.memory_space<semaphore_mem>>
      %dma_start3A = tpu.memref_slice %arg10[%multiple_of3A_62] : memref<32768xf32, #tpu.memory_space<hbm>> -> memref<1024xf32, #tpu.memory_space<hbm>>
      %dma_start3A_63 = tpu.memref_slice %arg10[%multiple_of3A_62] : memref<32768xf32, #tpu.memory_space<hbm>> -> memref<1024xf32, #tpu.memory_space<hbm>>
      tpu.enqueue_dma source(%arg23 : memref<1024xf32, #tpu.memory_space<vmem>>) target(%dma_start3A_63 : memref<1024xf32, #tpu.memory_space<hbm>>) target_semaphore(%run_scoped3A : memref<!tpu.dma_semaphore, #tpu.memory_space<semaphore_mem>>)
      %dma_wait3A = tpu.memref_slice %arg10[%multiple_of3A_62] : memref<32768xf32, #tpu.memory_space<hbm>> -> memref<1024xf32, #tpu.memory_space<hbm>>
      %dma_wait3A_64 = tpu.memref_slice %arg10[%multiple_of3A_62] : memref<32768xf32, #tpu.memory_space<hbm>> -> memref<1024xf32, #tpu.memory_space<hbm>>
      tpu.wait_dma2 semaphore(%run_scoped3A : memref<!tpu.dma_semaphore, #tpu.memory_space<semaphore_mem>>) src(%arg23 : memref<1024xf32, #tpu.memory_space<vmem>>) dst(%dma_wait3A_64 : memref<1024xf32, #tpu.memory_space<hbm>>)
      tpu.yield
    }) : () -> ()
    "tpu.region"() ({
      %run_scoped3A = tpu.sem_alloc : memref<!tpu.dma_semaphore, #tpu.memory_space<semaphore_mem>>
      %dma_start3A = tpu.memref_slice %arg11[%multiple_of3A_62] : memref<32768xf32, #tpu.memory_space<hbm>> -> memref<1024xf32, #tpu.memory_space<hbm>>
      %dma_start3A_63 = tpu.memref_slice %arg11[%multiple_of3A_62] : memref<32768xf32, #tpu.memory_space<hbm>> -> memref<1024xf32, #tpu.memory_space<hbm>>
      tpu.enqueue_dma source(%arg24 : memref<1024xf32, #tpu.memory_space<vmem>>) target(%dma_start3A_63 : memref<1024xf32, #tpu.memory_space<hbm>>) target_semaphore(%run_scoped3A : memref<!tpu.dma_semaphore, #tpu.memory_space<semaphore_mem>>)
      %dma_wait3A = tpu.memref_slice %arg11[%multiple_of3A_62] : memref<32768xf32, #tpu.memory_space<hbm>> -> memref<1024xf32, #tpu.memory_space<hbm>>
      %dma_wait3A_64 = tpu.memref_slice %arg11[%multiple_of3A_62] : memref<32768xf32, #tpu.memory_space<hbm>> -> memref<1024xf32, #tpu.memory_space<hbm>>
      tpu.wait_dma2 semaphore(%run_scoped3A : memref<!tpu.dma_semaphore, #tpu.memory_space<semaphore_mem>>) src(%arg24 : memref<1024xf32, #tpu.memory_space<vmem>>) dst(%dma_wait3A_64 : memref<1024xf32, #tpu.memory_space<hbm>>)
      tpu.yield
    }) : () -> ()
    "tpu.region"() ({
      %run_scoped3A = tpu.sem_alloc : memref<!tpu.dma_semaphore, #tpu.memory_space<semaphore_mem>>
      %dma_start3A = tpu.memref_slice %arg12[%multiple_of3A_62] : memref<32768xf32, #tpu.memory_space<hbm>> -> memref<1024xf32, #tpu.memory_space<hbm>>
      %dma_start3A_63 = tpu.memref_slice %arg12[%multiple_of3A_62] : memref<32768xf32, #tpu.memory_space<hbm>> -> memref<1024xf32, #tpu.memory_space<hbm>>
      tpu.enqueue_dma source(%arg25 : memref<1024xf32, #tpu.memory_space<vmem>>) target(%dma_start3A_63 : memref<1024xf32, #tpu.memory_space<hbm>>) target_semaphore(%run_scoped3A : memref<!tpu.dma_semaphore, #tpu.memory_space<semaphore_mem>>)
      %dma_wait3A = tpu.memref_slice %arg12[%multiple_of3A_62] : memref<32768xf32, #tpu.memory_space<hbm>> -> memref<1024xf32, #tpu.memory_space<hbm>>
      %dma_wait3A_64 = tpu.memref_slice %arg12[%multiple_of3A_62] : memref<32768xf32, #tpu.memory_space<hbm>> -> memref<1024xf32, #tpu.memory_space<hbm>>
      tpu.wait_dma2 semaphore(%run_scoped3A : memref<!tpu.dma_semaphore, #tpu.memory_space<semaphore_mem>>) src(%arg25 : memref<1024xf32, #tpu.memory_space<vmem>>) dst(%dma_wait3A_64 : memref<1024xf32, #tpu.memory_space<hbm>>)
      tpu.yield
    }) : () -> ()
    "tpu.region"() ({
      %run_scoped3A = tpu.sem_alloc : memref<!tpu.dma_semaphore, #tpu.memory_space<semaphore_mem>>
      %dma_start3A = tpu.memref_slice %arg13[%multiple_of3A_62] : memref<32768xf32, #tpu.memory_space<hbm>> -> memref<1024xf32, #tpu.memory_space<hbm>>
      %dma_start3A_63 = tpu.memref_slice %arg13[%multiple_of3A_62] : memref<32768xf32, #tpu.memory_space<hbm>> -> memref<1024xf32, #tpu.memory_space<hbm>>
      tpu.enqueue_dma source(%arg26 : memref<1024xf32, #tpu.memory_space<vmem>>) target(%dma_start3A_63 : memref<1024xf32, #tpu.memory_space<hbm>>) target_semaphore(%run_scoped3A : memref<!tpu.dma_semaphore, #tpu.memory_space<semaphore_mem>>)
      %dma_wait3A = tpu.memref_slice %arg13[%multiple_of3A_62] : memref<32768xf32, #tpu.memory_space<hbm>> -> memref<1024xf32, #tpu.memory_space<hbm>>
      %dma_wait3A_64 = tpu.memref_slice %arg13[%multiple_of3A_62] : memref<32768xf32, #tpu.memory_space<hbm>> -> memref<1024xf32, #tpu.memory_space<hbm>>
      tpu.wait_dma2 semaphore(%run_scoped3A : memref<!tpu.dma_semaphore, #tpu.memory_space<semaphore_mem>>) src(%arg26 : memref<1024xf32, #tpu.memory_space<vmem>>) dst(%dma_wait3A_64 : memref<1024xf32, #tpu.memory_space<hbm>>)
      tpu.yield
    }) : () -> ()
    "tpu.region"() ({
      %run_scoped3A = tpu.sem_alloc : memref<!tpu.dma_semaphore, #tpu.memory_space<semaphore_mem>>
      %dma_start3A = tpu.memref_slice %arg14[%multiple_of3A_62] : memref<32768xf32, #tpu.memory_space<hbm>> -> memref<1024xf32, #tpu.memory_space<hbm>>
      %dma_start3A_63 = tpu.memref_slice %arg14[%multiple_of3A_62] : memref<32768xf32, #tpu.memory_space<hbm>> -> memref<1024xf32, #tpu.memory_space<hbm>>
      tpu.enqueue_dma source(%arg27 : memref<1024xf32, #tpu.memory_space<vmem>>) target(%dma_start3A_63 : memref<1024xf32, #tpu.memory_space<hbm>>) target_semaphore(%run_scoped3A : memref<!tpu.dma_semaphore, #tpu.memory_space<semaphore_mem>>)
      %dma_wait3A = tpu.memref_slice %arg14[%multiple_of3A_62] : memref<32768xf32, #tpu.memory_space<hbm>> -> memref<1024xf32, #tpu.memory_space<hbm>>
      %dma_wait3A_64 = tpu.memref_slice %arg14[%multiple_of3A_62] : memref<32768xf32, #tpu.memory_space<hbm>> -> memref<1024xf32, #tpu.memory_space<hbm>>
      tpu.wait_dma2 semaphore(%run_scoped3A : memref<!tpu.dma_semaphore, #tpu.memory_space<semaphore_mem>>) src(%arg27 : memref<1024xf32, #tpu.memory_space<vmem>>) dst(%dma_wait3A_64 : memref<1024xf32, #tpu.memory_space<hbm>>)
      tpu.yield
    }) : () -> ()
    return
  }
}

module attributes {stable_mosaic.version = 14 : i64} {
  func.func @_decode_thresh_body(%arg0: memref<8x22016xf32, #tpu.memory_space<vmem>>, %arg1: memref<8x22016xf32, #tpu.memory_space<vmem>>, %arg2: memref<8x22016xf32, #tpu.memory_space<vmem>>, %arg3: memref<8x22016xf32, #tpu.memory_space<vmem>>, %arg4: memref<8x22016xf32, #tpu.memory_space<vmem>>, %arg5: memref<1x22016xf32, #tpu.memory_space<vmem>>, %arg6: memref<1x22016xf32, #tpu.memory_space<vmem>>, %arg7: memref<1x22016xf32, #tpu.memory_space<vmem>>, %arg8: memref<1x22016xf32, #tpu.memory_space<vmem>>, %arg9: memref<8x22016xi32, #tpu.memory_space<vmem>>, %arg10: memref<8x22016xf32, #tpu.memory_space<vmem>>, %arg11: memref<8x22016xf32, #tpu.memory_space<vmem>>, %arg12: memref<8x22016xf32, #tpu.memory_space<vmem>>, %arg13: memref<8x22016xf32, #tpu.memory_space<vmem>>) attributes {dimension_semantics = [], scalar_prefetch = 0 : i64, scratch_operands = 0 : i64, tpu.core_type = #tpu.core_type<tc>} {
    %get3A = arith.constant 0 : index
    %get3A_0 = arith.constant 0 : index
    %get3A_1 = vector.load %arg0[%get3A, %get3A_0] : memref<8x22016xf32, #tpu.memory_space<vmem>>, vector<8x22016xf32>
    %iota3A = tpu.iota {dimensions = array<i32: 1>} : vector<8x22016xi32>
    %lt3A = arith.constant 21600 : i32
    %lt3A_2 = vector.broadcast %lt3A : i32 to vector<8x22016xi32>
    %lt3A_3 = arith.cmpi slt, %iota3A, %lt3A_2 : vector<8x22016xi32>
    %bitcast_convert_type3A = tpu.bitcast %get3A_1 : vector<8x22016xf32> -> vector<8x22016xi32>
    %ge3A = arith.constant 0 : i32
    %ge3A_4 = vector.broadcast %ge3A : i32 to vector<8x22016xi32>
    %ge3A_5 = arith.cmpi sge, %bitcast_convert_type3A, %ge3A_4 : vector<8x22016xi32>
    %xor3A = arith.constant 2147483647 : i32
    %xor3A_6 = vector.broadcast %xor3A : i32 to vector<8x22016xi32>
    %xor3A_7 = arith.xori %bitcast_convert_type3A, %xor3A_6 : vector<8x22016xi32>
    %select_n3A = arith.select %ge3A_5, %bitcast_convert_type3A, %xor3A_7 : vector<8x22016xi1>, vector<8x22016xi32>
    %jit3A = arith.constant -2147483648 : i32
    %broadcast_in_dim3A = vector.broadcast %jit3A : i32 to vector<8x22016xi32>
    %select_n3A_8 = arith.select %lt3A_3, %select_n3A, %broadcast_in_dim3A : vector<8x22016xi1>, vector<8x22016xi32>
    %swap3A = arith.constant 0 : index
    %swap3A_9 = arith.constant 0 : index
    %swap3A_10 = vector.load %arg9[%swap3A, %swap3A_9] : memref<8x22016xi32, #tpu.memory_space<vmem>>, vector<8x22016xi32>
    tpu.vector_store %arg9[%swap3A, %swap3A_9], %select_n3A_8 {strides = array<i32>} : memref<8x22016xi32, #tpu.memory_space<vmem>>, vector<8x22016xi32>,
    %get3A_11 = arith.constant 0 : index
    %get3A_12 = arith.constant 0 : index
    %get3A_13 = vector.load %arg5[%get3A_11, %get3A_12] : memref<1x22016xf32, #tpu.memory_space<vmem>>, vector<1x22016xf32>
    %get3A_14 = arith.constant 0 : index
    %get3A_15 = arith.constant 0 : index
    %get3A_16 = vector.load %arg6[%get3A_14, %get3A_15] : memref<1x22016xf32, #tpu.memory_space<vmem>>, vector<1x22016xf32>
    %get3A_17 = arith.constant 0 : index
    %get3A_18 = arith.constant 0 : index
    %get3A_19 = vector.load %arg7[%get3A_17, %get3A_18] : memref<1x22016xf32, #tpu.memory_space<vmem>>, vector<1x22016xf32>
    %get3A_20 = arith.constant 0 : index
    %get3A_21 = arith.constant 0 : index
    %get3A_22 = vector.load %arg8[%get3A_20, %get3A_21] : memref<1x22016xf32, #tpu.memory_space<vmem>>, vector<1x22016xf32>
    %get3A_23 = arith.constant 0 : index
    %get3A_24 = arith.constant 0 : index
    %get3A_25 = vector.load %arg1[%get3A_23, %get3A_24] : memref<8x22016xf32, #tpu.memory_space<vmem>>, vector<8x22016xf32>
    %mul3A = vector.broadcast %get3A_19 : vector<1x22016xf32> to vector<8x22016xf32>
    %mul3A_26 = arith.mulf %get3A_25, %mul3A : vector<8x22016xf32>
    %add3A = vector.broadcast %get3A_13 : vector<1x22016xf32> to vector<8x22016xf32>
    %add3A_27 = arith.addf %mul3A_26, %add3A : vector<8x22016xf32>
    %get3A_28 = arith.constant 0 : index
    %get3A_29 = arith.constant 0 : index
    %get3A_30 = vector.load %arg2[%get3A_28, %get3A_29] : memref<8x22016xf32, #tpu.memory_space<vmem>>, vector<8x22016xf32>
    %mul3A_31 = vector.broadcast %get3A_22 : vector<1x22016xf32> to vector<8x22016xf32>
    %mul3A_32 = arith.mulf %get3A_30, %mul3A_31 : vector<8x22016xf32>
    %add3A_33 = vector.broadcast %get3A_16 : vector<1x22016xf32> to vector<8x22016xf32>
    %add3A_34 = arith.addf %mul3A_32, %add3A_33 : vector<8x22016xf32>
    %get3A_35 = arith.constant 0 : index
    %get3A_36 = arith.constant 0 : index
    %get3A_37 = vector.load %arg3[%get3A_35, %get3A_36] : memref<8x22016xf32, #tpu.memory_space<vmem>>, vector<8x22016xf32>
    %exp3A = math.exp %get3A_37 : vector<8x22016xf32>
    %mul3A_38 = vector.broadcast %get3A_19 : vector<1x22016xf32> to vector<8x22016xf32>
    %mul3A_39 = arith.mulf %mul3A_38, %exp3A : vector<8x22016xf32>
    %get3A_40 = arith.constant 0 : index
    %get3A_41 = arith.constant 0 : index
    %get3A_42 = vector.load %arg4[%get3A_40, %get3A_41] : memref<8x22016xf32, #tpu.memory_space<vmem>>, vector<8x22016xf32>
    %exp3A_43 = math.exp %get3A_42 : vector<8x22016xf32>
    %mul3A_44 = vector.broadcast %get3A_22 : vector<1x22016xf32> to vector<8x22016xf32>
    %mul3A_45 = arith.mulf %mul3A_44, %exp3A_43 : vector<8x22016xf32>
    %div3A = arith.constant 2.000000e+00 : f32
    %div3A_46 = vector.broadcast %div3A : f32 to vector<8x22016xf32>
    %div3A_47 = arith.divf %mul3A_39, %div3A_46 : vector<8x22016xf32>
    %sub3A = arith.subf %add3A_27, %div3A_47 : vector<8x22016xf32>
    %swap3A_48 = arith.constant 0 : index
    %swap3A_49 = arith.constant 0 : index
    %swap3A_50 = vector.load %arg10[%swap3A_48, %swap3A_49] : memref<8x22016xf32, #tpu.memory_space<vmem>>, vector<8x22016xf32>
    tpu.vector_store %arg10[%swap3A_48, %swap3A_49], %sub3A {strides = array<i32>} : memref<8x22016xf32, #tpu.memory_space<vmem>>, vector<8x22016xf32>,
    %div3A_51 = arith.constant 2.000000e+00 : f32
    %div3A_52 = vector.broadcast %div3A_51 : f32 to vector<8x22016xf32>
    %div3A_53 = arith.divf %mul3A_45, %div3A_52 : vector<8x22016xf32>
    %sub3A_54 = arith.subf %add3A_34, %div3A_53 : vector<8x22016xf32>
    %swap3A_55 = arith.constant 0 : index
    %swap3A_56 = arith.constant 0 : index
    %swap3A_57 = vector.load %arg11[%swap3A_55, %swap3A_56] : memref<8x22016xf32, #tpu.memory_space<vmem>>, vector<8x22016xf32>
    tpu.vector_store %arg11[%swap3A_55, %swap3A_56], %sub3A_54 {strides = array<i32>} : memref<8x22016xf32, #tpu.memory_space<vmem>>, vector<8x22016xf32>,
    %div3A_58 = arith.constant 2.000000e+00 : f32
    %div3A_59 = vector.broadcast %div3A_58 : f32 to vector<8x22016xf32>
    %div3A_60 = arith.divf %mul3A_39, %div3A_59 : vector<8x22016xf32>
    %add3A_61 = arith.addf %add3A_27, %div3A_60 : vector<8x22016xf32>
    %swap3A_62 = arith.constant 0 : index
    %swap3A_63 = arith.constant 0 : index
    %swap3A_64 = vector.load %arg12[%swap3A_62, %swap3A_63] : memref<8x22016xf32, #tpu.memory_space<vmem>>, vector<8x22016xf32>
    tpu.vector_store %arg12[%swap3A_62, %swap3A_63], %add3A_61 {strides = array<i32>} : memref<8x22016xf32, #tpu.memory_space<vmem>>, vector<8x22016xf32>,
    %div3A_65 = arith.constant 2.000000e+00 : f32
    %div3A_66 = vector.broadcast %div3A_65 : f32 to vector<8x22016xf32>
    %div3A_67 = arith.divf %mul3A_45, %div3A_66 : vector<8x22016xf32>
    %add3A_68 = arith.addf %add3A_34, %div3A_67 : vector<8x22016xf32>
    %swap3A_69 = arith.constant 0 : index
    %swap3A_70 = arith.constant 0 : index
    %swap3A_71 = vector.load %arg13[%swap3A_69, %swap3A_70] : memref<8x22016xf32, #tpu.memory_space<vmem>>, vector<8x22016xf32>
    tpu.vector_store %arg13[%swap3A_69, %swap3A_70], %add3A_68 {strides = array<i32>} : memref<8x22016xf32, #tpu.memory_space<vmem>>, vector<8x22016xf32>,
    %broadcast_in_dim3A_72 = arith.constant -2147483648 : i32
    %broadcast_in_dim3A_73 = vector.broadcast %broadcast_in_dim3A_72 : i32 to vector<8x1xi32>
    %scan3A = arith.constant 0 : i32
    %scan3A_74 = arith.constant 32 : i32
    %scan3A_75 = arith.addi %scan3A, %scan3A_74 : i32
    %scan3A_76 = arith.constant 1 : i32
    %scan3A_77 = scf.for %scan3A_128 = %scan3A to %scan3A_75 step %scan3A_76 iter_args(%scan3A_129 = %broadcast_in_dim3A_73) -> (vector<8x1xi32>)  : i32 {
      %sub3A_130 = arith.constant 31 : i32
      %sub3A_131 = arith.subi %sub3A_130, %scan3A_128 : i32
      %shift_left3A = arith.constant 1 : i32
      %shift_left3A_132 = arith.shli %shift_left3A, %sub3A_131 : i32
      %add3A_133 = vector.broadcast %shift_left3A_132 : i32 to vector<8x1xi32>
      %add3A_134 = arith.addi %scan3A_129, %add3A_133 : vector<8x1xi32>
      %get3A_135 = arith.constant 0 : index
      %get3A_136 = arith.constant 0 : index
      %get3A_137 = vector.load %arg9[%get3A_135, %get3A_136] : memref<8x22016xi32, #tpu.memory_space<vmem>>, vector<8x22016xi32>
      %ge3A_138 = vector.broadcast %add3A_134 : vector<8x1xi32> to vector<8x22016xi32>
      %ge3A_139 = arith.cmpi sge, %get3A_137, %ge3A_138 : vector<8x22016xi32>
      %convert_element_type3A_140 = arith.extui %ge3A_139 : vector<8x22016xi1> to vector<8x22016xi32>
      %reduce_sum3A_141 = arith.constant dense<0> : vector<8xi32>
      %reduce_sum3A_142 = vector.multi_reduction <add>, %convert_element_type3A_140, %reduce_sum3A_141 [1] : vector<8x22016xi32> to vector<8xi32>
      %broadcast_in_dim3A_143 = vector.shape_cast %reduce_sum3A_142 : vector<8xi32> to vector<8x1xi32>
      %ge3A_144 = arith.constant 1000 : i32
      %ge3A_145 = vector.broadcast %ge3A_144 : i32 to vector<8x1xi32>
      %ge3A_146 = arith.cmpi sge, %broadcast_in_dim3A_143, %ge3A_145 : vector<8x1xi32>
      %select_n3A_147 = arith.select %ge3A_146, %add3A_134, %scan3A_129 : vector<8x1xi1>, vector<8x1xi32>
      scf.yield %select_n3A_147 : vector<8x1xi32>
    }
    %scan3A_78 = arith.constant 32 : i32
    %gt3A = vector.broadcast %scan3A_77 : vector<8x1xi32> to vector<8x22016xi32>
    %gt3A_79 = arith.cmpi sgt, %select_n3A_8, %gt3A : vector<8x22016xi32>
    %convert_element_type3A = arith.extui %gt3A_79 : vector<8x22016xi1> to vector<8x22016xi32>
    %reduce_sum3A = arith.constant dense<0> : vector<8xi32>
    %reduce_sum3A_80 = vector.multi_reduction <add>, %convert_element_type3A, %reduce_sum3A [1] : vector<8x22016xi32> to vector<8xi32>
    %broadcast_in_dim3A_81 = vector.shape_cast %reduce_sum3A_80 : vector<8xi32> to vector<8x1xi32>
    %eq3A = vector.broadcast %scan3A_77 : vector<8x1xi32> to vector<8x22016xi32>
    %eq3A_82 = arith.cmpi eq, %select_n3A_8, %eq3A : vector<8x22016xi32>
    %convert_element_type3A_83 = arith.extui %eq3A_82 : vector<8x22016xi1> to vector<8x22016xi32>
    %reduce_sum3A_84 = arith.constant dense<0> : vector<8xi32>
    %reduce_sum3A_85 = vector.multi_reduction <add>, %convert_element_type3A_83, %reduce_sum3A_84 [1] : vector<8x22016xi32> to vector<8xi32>
    %broadcast_in_dim3A_86 = vector.shape_cast %reduce_sum3A_85 : vector<8xi32> to vector<8x1xi32>
    %sub3A_87 = arith.constant 1000 : i32
    %sub3A_88 = vector.broadcast %sub3A_87 : i32 to vector<8x1xi32>
    %sub3A_89 = arith.subi %sub3A_88, %broadcast_in_dim3A_81 : vector<8x1xi32>
    %sub3A_90 = arith.subi %broadcast_in_dim3A_86, %sub3A_89 : vector<8x1xi32>
    %reduce_max3A = vector.shape_cast %sub3A_90 : vector<8x1xi32> to vector<1x8x1xi32>
    %reduce_max3A_91 = arith.constant dense<-2147483648> : vector<1xi32>
    %reduce_max3A_92 = vector.multi_reduction <maxsi>, %reduce_max3A, %reduce_max3A_91 [1, 2] : vector<1x8x1xi32> to vector<1xi32>
    %reduce_max3A_93 = vector.shape_cast %reduce_max3A_92 : vector<1xi32> to vector<1x1x1xi32>
    %reduce_max3A_94 = vector.extract %reduce_max3A_93[0, 0, 0] : i32 from vector<1x1x1xi32>
    %gt3A_95 = arith.constant 0 : i32
    %gt3A_96 = arith.cmpi sgt, %reduce_max3A_94, %gt3A_95 : i32
    %jit3A_97 = arith.constant 15 : i32
    %jit3A_98 = arith.constant 0 : i32
    %select_n3A_99 = arith.select %gt3A_96, %jit3A_97, %jit3A_98 : i32
    %broadcast_in_dim3A_100 = arith.constant 0 : i32
    %broadcast_in_dim3A_101 = vector.broadcast %broadcast_in_dim3A_100 : i32 to vector<8x1xi32>
    %while3A = arith.constant 0 : i32
    %while3A_102 = arith.subi %select_n3A_99, %while3A : i32
    %while3A_103 = arith.addi %while3A, %while3A_102 : i32
    %while3A_104 = arith.constant 1 : i32
    %while3A_105 = arith.divsi %while3A_102, %while3A_104 : i32
    %while3A_106 = arith.muli %while3A_105, %while3A_104 : i32
    %while3A_107 = arith.addi %while3A, %while3A_106 : i32
    %while3A_108 = arith.constant 1 : i32
    %while3A_109 = scf.for %while3A_128 = %while3A to %while3A_107 step %while3A_108 iter_args(%while3A_129 = %broadcast_in_dim3A_101) -> (vector<8x1xi32>)  : i32 {
      %sub3A_130 = arith.constant 14 : i32
      %sub3A_131 = arith.subi %sub3A_130, %while3A_128 : i32
      %shift_left3A = arith.constant 1 : i32
      %shift_left3A_132 = arith.shli %shift_left3A, %sub3A_131 : i32
      %add3A_133 = vector.broadcast %shift_left3A_132 : i32 to vector<8x1xi32>
      %add3A_134 = arith.addi %while3A_129, %add3A_133 : vector<8x1xi32>
      %sub3A_135 = arith.constant 1 : i32
      %sub3A_136 = vector.broadcast %sub3A_135 : i32 to vector<8x1xi32>
      %sub3A_137 = arith.subi %add3A_134, %sub3A_136 : vector<8x1xi32>
      %get3A_138 = arith.constant 0 : index
      %get3A_139 = arith.constant 0 : index
      %get3A_140 = vector.load %arg9[%get3A_138, %get3A_139] : memref<8x22016xi32, #tpu.memory_space<vmem>>, vector<8x22016xi32>
      %eq3A_141 = vector.broadcast %scan3A_77 : vector<8x1xi32> to vector<8x22016xi32>
      %eq3A_142 = arith.cmpi eq, %get3A_140, %eq3A_141 : vector<8x22016xi32>
      %le3A = vector.broadcast %sub3A_137 : vector<8x1xi32> to vector<8x22016xi32>
      %le3A_143 = arith.cmpi sle, %iota3A, %le3A : vector<8x22016xi32>
      %and3A_144 = arith.andi %eq3A_142, %le3A_143 : vector<8x22016xi1>
      %convert_element_type3A_145 = arith.extui %and3A_144 : vector<8x22016xi1> to vector<8x22016xi32>
      %reduce_sum3A_146 = arith.constant dense<0> : vector<8xi32>
      %reduce_sum3A_147 = vector.multi_reduction <add>, %convert_element_type3A_145, %reduce_sum3A_146 [1] : vector<8x22016xi32> to vector<8xi32>
      %broadcast_in_dim3A_148 = vector.shape_cast %reduce_sum3A_147 : vector<8xi32> to vector<8x1xi32>
      %lt3A_149 = arith.cmpi slt, %broadcast_in_dim3A_148, %sub3A_89 : vector<8x1xi32>
      %shift_left3A_150 = arith.constant 1 : i32
      %shift_left3A_151 = arith.shli %shift_left3A_150, %sub3A_131 : i32
      %add3A_152 = vector.broadcast %shift_left3A_151 : i32 to vector<8x1xi32>
      %add3A_153 = arith.addi %while3A_129, %add3A_152 : vector<8x1xi32>
      %select_n3A_154 = arith.select %lt3A_149, %add3A_153, %while3A_129 : vector<8x1xi1>, vector<8x1xi32>
      scf.yield %select_n3A_154 : vector<8x1xi32>
    }
    %while3A_110 = arith.constant 1 : i32
    %while3A_111 = scf.for %while3A_128 = %while3A_107 to %while3A_103 step %while3A_110 iter_args(%while3A_129 = %while3A_109) -> (vector<8x1xi32>)  : i32 {
      %sub3A_130 = arith.constant 14 : i32
      %sub3A_131 = arith.subi %sub3A_130, %while3A_128 : i32
      %shift_left3A = arith.constant 1 : i32
      %shift_left3A_132 = arith.shli %shift_left3A, %sub3A_131 : i32
      %add3A_133 = vector.broadcast %shift_left3A_132 : i32 to vector<8x1xi32>
      %add3A_134 = arith.addi %while3A_129, %add3A_133 : vector<8x1xi32>
      %sub3A_135 = arith.constant 1 : i32
      %sub3A_136 = vector.broadcast %sub3A_135 : i32 to vector<8x1xi32>
      %sub3A_137 = arith.subi %add3A_134, %sub3A_136 : vector<8x1xi32>
      %get3A_138 = arith.constant 0 : index
      %get3A_139 = arith.constant 0 : index
      %get3A_140 = vector.load %arg9[%get3A_138, %get3A_139] : memref<8x22016xi32, #tpu.memory_space<vmem>>, vector<8x22016xi32>
      %eq3A_141 = vector.broadcast %scan3A_77 : vector<8x1xi32> to vector<8x22016xi32>
      %eq3A_142 = arith.cmpi eq, %get3A_140, %eq3A_141 : vector<8x22016xi32>
      %le3A = vector.broadcast %sub3A_137 : vector<8x1xi32> to vector<8x22016xi32>
      %le3A_143 = arith.cmpi sle, %iota3A, %le3A : vector<8x22016xi32>
      %and3A_144 = arith.andi %eq3A_142, %le3A_143 : vector<8x22016xi1>
      %convert_element_type3A_145 = arith.extui %and3A_144 : vector<8x22016xi1> to vector<8x22016xi32>
      %reduce_sum3A_146 = arith.constant dense<0> : vector<8xi32>
      %reduce_sum3A_147 = vector.multi_reduction <add>, %convert_element_type3A_145, %reduce_sum3A_146 [1] : vector<8x22016xi32> to vector<8xi32>
      %broadcast_in_dim3A_148 = vector.shape_cast %reduce_sum3A_147 : vector<8xi32> to vector<8x1xi32>
      %lt3A_149 = arith.cmpi slt, %broadcast_in_dim3A_148, %sub3A_89 : vector<8x1xi32>
      %shift_left3A_150 = arith.constant 1 : i32
      %shift_left3A_151 = arith.shli %shift_left3A_150, %sub3A_131 : i32
      %add3A_152 = vector.broadcast %shift_left3A_151 : i32 to vector<8x1xi32>
      %add3A_153 = arith.addi %while3A_129, %add3A_152 : vector<8x1xi32>
      %select_n3A_154 = arith.select %lt3A_149, %add3A_153, %while3A_129 : vector<8x1xi1>, vector<8x1xi32>
      scf.yield %select_n3A_154 : vector<8x1xi32>
    }
    %eq3A_112 = arith.cmpi eq, %broadcast_in_dim3A_86, %sub3A_89 : vector<8x1xi32>
    %jit3A_113 = arith.constant 2147483647 : i32
    %broadcast_in_dim3A_114 = vector.broadcast %jit3A_113 : i32 to vector<8x1xi32>
    %select_n3A_115 = arith.select %eq3A_112, %broadcast_in_dim3A_114, %while3A_111 : vector<8x1xi1>, vector<8x1xi32>
    %lt3A_116 = vector.broadcast %scan3A_77 : vector<8x1xi32> to vector<8x22016xi32>
    %lt3A_117 = arith.cmpi slt, %select_n3A_8, %lt3A_116 : vector<8x22016xi32>
    %eq3A_118 = vector.broadcast %scan3A_77 : vector<8x1xi32> to vector<8x22016xi32>
    %eq3A_119 = arith.cmpi eq, %select_n3A_8, %eq3A_118 : vector<8x22016xi32>
    %gt3A_120 = vector.broadcast %select_n3A_115 : vector<8x1xi32> to vector<8x22016xi32>
    %gt3A_121 = arith.cmpi sgt, %iota3A, %gt3A_120 : vector<8x22016xi32>
    %and3A = arith.andi %eq3A_119, %gt3A_121 : vector<8x22016xi1>
    %or3A = arith.ori %lt3A_117, %and3A : vector<8x22016xi1>
    %jit3A_122 = arith.constant -2147483648 : i32
    %broadcast_in_dim3A_123 = vector.broadcast %jit3A_122 : i32 to vector<8x22016xi32>
    %select_n3A_124 = arith.select %or3A, %broadcast_in_dim3A_123, %select_n3A_8 : vector<8x22016xi1>, vector<8x22016xi32>
    %swap3A_125 = arith.constant 0 : index
    %swap3A_126 = arith.constant 0 : index
    %swap3A_127 = vector.load %arg9[%swap3A_125, %swap3A_126] : memref<8x22016xi32, #tpu.memory_space<vmem>>, vector<8x22016xi32>
    tpu.vector_store %arg9[%swap3A_125, %swap3A_126], %select_n3A_124 {strides = array<i32>} : memref<8x22016xi32, #tpu.memory_space<vmem>>, vector<8x22016xi32>,
    return
  }
}

module attributes {stable_mosaic.version = 14 : i64} {
  func.func @_nms_compact_body(%arg0: memref<8x4096xi32, #tpu.memory_space<vmem>>, %arg1: memref<8x4096xi32, #tpu.memory_space<vmem>>, %arg2: memref<8x4096xf32, #tpu.memory_space<vmem>>, %arg3: memref<8x4096xf32, #tpu.memory_space<vmem>>, %arg4: memref<8x4096xf32, #tpu.memory_space<vmem>>, %arg5: memref<8x4096xf32, #tpu.memory_space<vmem>>, %arg6: memref<8x4096xf32, #tpu.memory_space<vmem>>, %arg7: memref<8x18xf32, #tpu.memory_space<vmem>>, %arg8: memref<8x18xf32, #tpu.memory_space<vmem>>, %arg9: memref<8x18xf32, #tpu.memory_space<vmem>>, %arg10: memref<8x18xf32, #tpu.memory_space<vmem>>, %arg11: memref<8x18xf32, #tpu.memory_space<vmem>>, %arg12: memref<8x4096xi32, #tpu.memory_space<vmem>>, %arg13: memref<8x4096xi32, #tpu.memory_space<vmem>>, %arg14: memref<8x4096xf32, #tpu.memory_space<vmem>>) attributes {dimension_semantics = [], scalar_prefetch = 0 : i64, scratch_operands = 3 : i64, tpu.core_type = #tpu.core_type<tc>} {
    %get3A = arith.constant 0 : index
    %get3A_0 = arith.constant 0 : index
    %get3A_1 = vector.load %arg0[%get3A, %get3A_0] : memref<8x4096xi32, #tpu.memory_space<vmem>>, vector<8x4096xi32>
    %swap3A = arith.constant 0 : index
    %swap3A_2 = arith.constant 0 : index
    %swap3A_3 = vector.load %arg12[%swap3A, %swap3A_2] : memref<8x4096xi32, #tpu.memory_space<vmem>>, vector<8x4096xi32>
    tpu.vector_store %arg12[%swap3A, %swap3A_2], %get3A_1 {strides = array<i32>} : memref<8x4096xi32, #tpu.memory_space<vmem>>, vector<8x4096xi32>,
    %swap3A_4 = arith.constant 0 : index
    %swap3A_5 = arith.constant 0 : index
    %swap3A_6 = vector.load %arg13[%swap3A_4, %swap3A_5] : memref<8x4096xi32, #tpu.memory_space<vmem>>, vector<8x4096xi32>
    tpu.vector_store %arg13[%swap3A_4, %swap3A_5], %get3A_1 {strides = array<i32>} : memref<8x4096xi32, #tpu.memory_space<vmem>>, vector<8x4096xi32>,
    %get3A_7 = arith.constant 0 : index
    %get3A_8 = arith.constant 0 : index
    %get3A_9 = vector.load %arg2[%get3A_7, %get3A_8] : memref<8x4096xf32, #tpu.memory_space<vmem>>, vector<8x4096xf32>
    %get3A_10 = arith.constant 0 : index
    %get3A_11 = arith.constant 0 : index
    %get3A_12 = vector.load %arg3[%get3A_10, %get3A_11] : memref<8x4096xf32, #tpu.memory_space<vmem>>, vector<8x4096xf32>
    %get3A_13 = arith.constant 0 : index
    %get3A_14 = arith.constant 0 : index
    %get3A_15 = vector.load %arg4[%get3A_13, %get3A_14] : memref<8x4096xf32, #tpu.memory_space<vmem>>, vector<8x4096xf32>
    %get3A_16 = arith.constant 0 : index
    %get3A_17 = arith.constant 0 : index
    %get3A_18 = vector.load %arg5[%get3A_16, %get3A_17] : memref<8x4096xf32, #tpu.memory_space<vmem>>, vector<8x4096xf32>
    %sub3A = arith.subf %get3A_15, %get3A_9 : vector<8x4096xf32>
    %sub3A_19 = arith.subf %get3A_18, %get3A_12 : vector<8x4096xf32>
    %mul3A = arith.mulf %sub3A, %sub3A_19 : vector<8x4096xf32>
    %swap3A_20 = arith.constant 0 : index
    %swap3A_21 = arith.constant 0 : index
    %swap3A_22 = vector.load %arg14[%swap3A_20, %swap3A_21] : memref<8x4096xf32, #tpu.memory_space<vmem>>, vector<8x4096xf32>
    tpu.vector_store %arg14[%swap3A_20, %swap3A_21], %mul3A {strides = array<i32>} : memref<8x4096xf32, #tpu.memory_space<vmem>>, vector<8x4096xf32>,
    %get3A_23 = arith.constant 0 : index
    %get3A_24 = arith.constant 0 : index
    %get3A_25 = vector.load %arg1[%get3A_23, %get3A_24] : memref<8x4096xi32, #tpu.memory_space<vmem>>, vector<8x4096xi32>
    %iota3A = tpu.iota {dimensions = array<i32: 1>} : vector<8x18xi32>
    %broadcast_in_dim3A = arith.constant 0.000000e+00 : f32
    %broadcast_in_dim3A_26 = vector.broadcast %broadcast_in_dim3A : f32 to vector<8x18xf32>
    %broadcast_in_dim3A_27 = arith.constant 0 : i32
    %broadcast_in_dim3A_28 = vector.broadcast %broadcast_in_dim3A_27 : i32 to vector<8x1xi32>
    %scan3A = arith.constant 0 : i32
    %scan3A_29 = arith.constant 18 : i32
    %scan3A_30 = arith.addi %scan3A, %scan3A_29 : i32
    %scan3A_31 = arith.constant 1 : i32
    %scan3A_32:6 = scf.for %scan3A_88 = %scan3A to %scan3A_30 step %scan3A_31 iter_args(%scan3A_89 = %broadcast_in_dim3A_26, %scan3A_90 = %broadcast_in_dim3A_26, %scan3A_91 = %broadcast_in_dim3A_26, %scan3A_92 = %broadcast_in_dim3A_26, %scan3A_93 = %broadcast_in_dim3A_26, %scan3A_94 = %broadcast_in_dim3A_28) -> (vector<8x18xf32>, vector<8x18xf32>, vector<8x18xf32>, vector<8x18xf32>, vector<8x18xf32>, vector<8x1xi32>)  : i32 {
      %get3A_95 = arith.constant 0 : index
      %get3A_96 = arith.constant 0 : index
      %get3A_97 = vector.load %arg12[%get3A_95, %get3A_96] : memref<8x4096xi32, #tpu.memory_space<vmem>>, vector<8x4096xi32>
      %reduce_max3A = arith.constant dense<-2147483648> : vector<8xi32>
      %reduce_max3A_98 = vector.multi_reduction <maxsi>, %get3A_97, %reduce_max3A [1] : vector<8x4096xi32> to vector<8xi32>
      %broadcast_in_dim3A_99 = vector.shape_cast %reduce_max3A_98 : vector<8xi32> to vector<8x1xi32>
      %gt3A = arith.constant -2147483648 : i32
      %gt3A_100 = vector.broadcast %gt3A : i32 to vector<8x1xi32>
      %gt3A_101 = arith.cmpi sgt, %broadcast_in_dim3A_99, %gt3A_100 : vector<8x1xi32>
      %eq3A = vector.broadcast %broadcast_in_dim3A_99 : vector<8x1xi32> to vector<8x4096xi32>
      %eq3A_102 = arith.cmpi eq, %get3A_97, %eq3A : vector<8x4096xi32>
      %and3A = vector.broadcast %gt3A_101 : vector<8x1xi1> to vector<8x4096xi1>
      %and3A_103 = arith.andi %eq3A_102, %and3A : vector<8x4096xi1>
      %jit3A_104 = arith.constant 2147483647 : i32
      %broadcast_in_dim3A_105 = vector.broadcast %jit3A_104 : i32 to vector<8x4096xi32>
      %select_n3A_106 = arith.select %and3A_103, %get3A_25, %broadcast_in_dim3A_105 : vector<8x4096xi1>, vector<8x4096xi32>
      %reduce_min3A_107 = arith.constant dense<2147483647> : vector<8xi32>
      %reduce_min3A_108 = vector.multi_reduction <minsi>, %select_n3A_106, %reduce_min3A_107 [1] : vector<8x4096xi32> to vector<8xi32>
      %broadcast_in_dim3A_109 = vector.shape_cast %reduce_min3A_108 : vector<8xi32> to vector<8x1xi32>
      %eq3A_110 = vector.broadcast %broadcast_in_dim3A_109 : vector<8x1xi32> to vector<8x4096xi32>
      %eq3A_111 = arith.cmpi eq, %get3A_25, %eq3A_110 : vector<8x4096xi32>
      %and3A_112 = arith.andi %and3A_103, %eq3A_111 : vector<8x4096xi1>
      %get3A_113 = arith.constant 0 : index
      %get3A_114 = arith.constant 0 : index
      %get3A_115 = vector.load %arg2[%get3A_113, %get3A_114] : memref<8x4096xf32, #tpu.memory_space<vmem>>, vector<8x4096xf32>
      %get3A_116 = arith.constant 0 : index
      %get3A_117 = arith.constant 0 : index
      %get3A_118 = vector.load %arg3[%get3A_116, %get3A_117] : memref<8x4096xf32, #tpu.memory_space<vmem>>, vector<8x4096xf32>
      %get3A_119 = arith.constant 0 : index
      %get3A_120 = arith.constant 0 : index
      %get3A_121 = vector.load %arg4[%get3A_119, %get3A_120] : memref<8x4096xf32, #tpu.memory_space<vmem>>, vector<8x4096xf32>
      %get3A_122 = arith.constant 0 : index
      %get3A_123 = arith.constant 0 : index
      %get3A_124 = vector.load %arg5[%get3A_122, %get3A_123] : memref<8x4096xf32, #tpu.memory_space<vmem>>, vector<8x4096xf32>
      %jit3A_125 = arith.constant 0.000000e+00 : f32
      %broadcast_in_dim3A_126 = vector.broadcast %jit3A_125 : f32 to vector<8x4096xf32>
      %select_n3A_127 = arith.select %and3A_112, %get3A_115, %broadcast_in_dim3A_126 : vector<8x4096xi1>, vector<8x4096xf32>
      %reduce_sum3A = arith.constant dense<0.000000e+00> : vector<8xf32>
      %reduce_sum3A_128 = vector.multi_reduction <add>, %select_n3A_127, %reduce_sum3A [1] : vector<8x4096xf32> to vector<8xf32>
      %broadcast_in_dim3A_129 = vector.shape_cast %reduce_sum3A_128 : vector<8xf32> to vector<8x1xf32>
      %jit3A_130 = arith.constant 0.000000e+00 : f32
      %broadcast_in_dim3A_131 = vector.broadcast %jit3A_130 : f32 to vector<8x4096xf32>
      %select_n3A_132 = arith.select %and3A_112, %get3A_118, %broadcast_in_dim3A_131 : vector<8x4096xi1>, vector<8x4096xf32>
      %reduce_sum3A_133 = arith.constant dense<0.000000e+00> : vector<8xf32>
      %reduce_sum3A_134 = vector.multi_reduction <add>, %select_n3A_132, %reduce_sum3A_133 [1] : vector<8x4096xf32> to vector<8xf32>
      %broadcast_in_dim3A_135 = vector.shape_cast %reduce_sum3A_134 : vector<8xf32> to vector<8x1xf32>
      %jit3A_136 = arith.constant 0.000000e+00 : f32
      %broadcast_in_dim3A_137 = vector.broadcast %jit3A_136 : f32 to vector<8x4096xf32>
      %select_n3A_138 = arith.select %and3A_112, %get3A_121, %broadcast_in_dim3A_137 : vector<8x4096xi1>, vector<8x4096xf32>
      %reduce_sum3A_139 = arith.constant dense<0.000000e+00> : vector<8xf32>
      %reduce_sum3A_140 = vector.multi_reduction <add>, %select_n3A_138, %reduce_sum3A_139 [1] : vector<8x4096xf32> to vector<8xf32>
      %broadcast_in_dim3A_141 = vector.shape_cast %reduce_sum3A_140 : vector<8xf32> to vector<8x1xf32>
      %jit3A_142 = arith.constant 0.000000e+00 : f32
      %broadcast_in_dim3A_143 = vector.broadcast %jit3A_142 : f32 to vector<8x4096xf32>
      %select_n3A_144 = arith.select %and3A_112, %get3A_124, %broadcast_in_dim3A_143 : vector<8x4096xi1>, vector<8x4096xf32>
      %reduce_sum3A_145 = arith.constant dense<0.000000e+00> : vector<8xf32>
      %reduce_sum3A_146 = vector.multi_reduction <add>, %select_n3A_144, %reduce_sum3A_145 [1] : vector<8x4096xf32> to vector<8xf32>
      %broadcast_in_dim3A_147 = vector.shape_cast %reduce_sum3A_146 : vector<8xf32> to vector<8x1xf32>
      %get3A_148 = arith.constant 0 : index
      %get3A_149 = arith.constant 0 : index
      %get3A_150 = vector.load %arg6[%get3A_148, %get3A_149] : memref<8x4096xf32, #tpu.memory_space<vmem>>, vector<8x4096xf32>
      %jit3A_151 = arith.constant 0.000000e+00 : f32
      %broadcast_in_dim3A_152 = vector.broadcast %jit3A_151 : f32 to vector<8x4096xf32>
      %select_n3A_153 = arith.select %and3A_112, %get3A_150, %broadcast_in_dim3A_152 : vector<8x4096xi1>, vector<8x4096xf32>
      %reduce_sum3A_154 = arith.constant dense<0.000000e+00> : vector<8xf32>
      %reduce_sum3A_155 = vector.multi_reduction <add>, %select_n3A_153, %reduce_sum3A_154 [1] : vector<8x4096xf32> to vector<8xf32>
      %broadcast_in_dim3A_156 = vector.shape_cast %reduce_sum3A_155 : vector<8xf32> to vector<8x1xf32>
      %max3A = vector.broadcast %broadcast_in_dim3A_129 : vector<8x1xf32> to vector<8x4096xf32>
      %max3A_157 = arith.maximumf %max3A, %get3A_115 : vector<8x4096xf32>
      %max3A_158 = vector.broadcast %broadcast_in_dim3A_135 : vector<8x1xf32> to vector<8x4096xf32>
      %max3A_159 = arith.maximumf %max3A_158, %get3A_118 : vector<8x4096xf32>
      %min3A = vector.broadcast %broadcast_in_dim3A_141 : vector<8x1xf32> to vector<8x4096xf32>
      %min3A_160 = arith.minimumf %min3A, %get3A_121 : vector<8x4096xf32>
      %min3A_161 = vector.broadcast %broadcast_in_dim3A_147 : vector<8x1xf32> to vector<8x4096xf32>
      %min3A_162 = arith.minimumf %min3A_161, %get3A_124 : vector<8x4096xf32>
      %sub3A_163 = arith.subf %min3A_160, %max3A_157 : vector<8x4096xf32>
      %max3A_164 = arith.constant 0.000000e+00 : f32
      %max3A_165 = vector.broadcast %max3A_164 : f32 to vector<8x4096xf32>
      %max3A_166 = arith.maximumf %max3A_165, %sub3A_163 : vector<8x4096xf32>
      %sub3A_167 = arith.subf %min3A_162, %max3A_159 : vector<8x4096xf32>
      %max3A_168 = arith.constant 0.000000e+00 : f32
      %max3A_169 = vector.broadcast %max3A_168 : f32 to vector<8x4096xf32>
      %max3A_170 = arith.maximumf %max3A_169, %sub3A_167 : vector<8x4096xf32>
      %mul3A_171 = arith.mulf %max3A_166, %max3A_170 : vector<8x4096xf32>
      %get3A_172 = arith.constant 0 : index
      %get3A_173 = arith.constant 0 : index
      %get3A_174 = vector.load %arg14[%get3A_172, %get3A_173] : memref<8x4096xf32, #tpu.memory_space<vmem>>, vector<8x4096xf32>
      %div3A = arith.divf %mul3A_171, %get3A_174 : vector<8x4096xf32>
      %gt3A_175 = arith.constant 5.000000e-01 : f32
      %gt3A_176 = vector.broadcast %gt3A_175 : f32 to vector<8x4096xf32>
      %gt3A_177 = arith.cmpf ogt, %div3A, %gt3A_176 : vector<8x4096xf32>
      %or3A = arith.ori %gt3A_177, %and3A_112 : vector<8x4096xi1>
      %and3A_178 = vector.broadcast %gt3A_101 : vector<8x1xi1> to vector<8x4096xi1>
      %and3A_179 = arith.andi %and3A_178, %or3A : vector<8x4096xi1>
      %jit3A_180 = arith.constant -2147483648 : i32
      %broadcast_in_dim3A_181 = vector.broadcast %jit3A_180 : i32 to vector<8x4096xi32>
      %select_n3A_182 = arith.select %and3A_179, %broadcast_in_dim3A_181, %get3A_97 : vector<8x4096xi1>, vector<8x4096xi32>
      %swap3A_183 = arith.constant 0 : index
      %swap3A_184 = arith.constant 0 : index
      %swap3A_185 = vector.load %arg12[%swap3A_183, %swap3A_184] : memref<8x4096xi32, #tpu.memory_space<vmem>>, vector<8x4096xi32>
      tpu.vector_store %arg12[%swap3A_183, %swap3A_184], %select_n3A_182 {strides = array<i32>} : memref<8x4096xi32, #tpu.memory_space<vmem>>, vector<8x4096xi32>,
      %eq3A_186 = vector.broadcast %scan3A_88 : i32 to vector<8x18xi32>
      %eq3A_187 = arith.cmpi eq, %iota3A, %eq3A_186 : vector<8x18xi32>
      %and3A_188 = vector.broadcast %gt3A_101 : vector<8x1xi1> to vector<8x18xi1>
      %and3A_189 = arith.andi %eq3A_187, %and3A_188 : vector<8x18xi1>
      %broadcast_in_dim3A_190 = vector.shape_cast %broadcast_in_dim3A_129 : vector<8x1xf32> to vector<8x1xf32>
      %broadcast_in_dim3A_191 = vector.broadcast %broadcast_in_dim3A_190 : vector<8x1xf32> to vector<8x18xf32>
      %select_n3A_192 = arith.select %and3A_189, %broadcast_in_dim3A_191, %scan3A_89 : vector<8x18xi1>, vector<8x18xf32>
      %broadcast_in_dim3A_193 = vector.shape_cast %broadcast_in_dim3A_135 : vector<8x1xf32> to vector<8x1xf32>
      %broadcast_in_dim3A_194 = vector.broadcast %broadcast_in_dim3A_193 : vector<8x1xf32> to vector<8x18xf32>
      %select_n3A_195 = arith.select %and3A_189, %broadcast_in_dim3A_194, %scan3A_90 : vector<8x18xi1>, vector<8x18xf32>
      %broadcast_in_dim3A_196 = vector.shape_cast %broadcast_in_dim3A_141 : vector<8x1xf32> to vector<8x1xf32>
      %broadcast_in_dim3A_197 = vector.broadcast %broadcast_in_dim3A_196 : vector<8x1xf32> to vector<8x18xf32>
      %select_n3A_198 = arith.select %and3A_189, %broadcast_in_dim3A_197, %scan3A_91 : vector<8x18xi1>, vector<8x18xf32>
      %broadcast_in_dim3A_199 = vector.shape_cast %broadcast_in_dim3A_147 : vector<8x1xf32> to vector<8x1xf32>
      %broadcast_in_dim3A_200 = vector.broadcast %broadcast_in_dim3A_199 : vector<8x1xf32> to vector<8x18xf32>
      %select_n3A_201 = arith.select %and3A_189, %broadcast_in_dim3A_200, %scan3A_92 : vector<8x18xi1>, vector<8x18xf32>
      %broadcast_in_dim3A_202 = vector.shape_cast %broadcast_in_dim3A_156 : vector<8x1xf32> to vector<8x1xf32>
      %broadcast_in_dim3A_203 = vector.broadcast %broadcast_in_dim3A_202 : vector<8x1xf32> to vector<8x18xf32>
      %select_n3A_204 = arith.select %and3A_189, %broadcast_in_dim3A_203, %scan3A_93 : vector<8x18xi1>, vector<8x18xf32>
      %convert_element_type3A = arith.extui %gt3A_101 : vector<8x1xi1> to vector<8x1xi32>
      %add3A_205 = arith.addi %scan3A_94, %convert_element_type3A : vector<8x1xi32>
      scf.yield %select_n3A_192, %select_n3A_195, %select_n3A_198, %select_n3A_201, %select_n3A_204, %add3A_205 : vector<8x18xf32>, vector<8x18xf32>, vector<8x18xf32>, vector<8x18xf32>, vector<8x18xf32>, vector<8x1xi32>
    }
    %scan3A_33 = arith.constant 18 : i32
    %lt3A = vector.broadcast %scan3A_32#5 : vector<8x1xi32> to vector<8x18xi32>
    %lt3A_34 = arith.cmpi slt, %iota3A, %lt3A : vector<8x18xi32>
    %jit3A = arith.constant 0.000000e+00 : f32
    %broadcast_in_dim3A_35 = vector.broadcast %jit3A : f32 to vector<8x18xf32>
    %select_n3A = arith.select %lt3A_34, %scan3A_32#0, %broadcast_in_dim3A_35 : vector<8x18xi1>, vector<8x18xf32>
    %jit3A_36 = arith.constant 0.000000e+00 : f32
    %broadcast_in_dim3A_37 = vector.broadcast %jit3A_36 : f32 to vector<8x18xf32>
    %select_n3A_38 = arith.select %lt3A_34, %scan3A_32#1, %broadcast_in_dim3A_37 : vector<8x18xi1>, vector<8x18xf32>
    %jit3A_39 = arith.constant 0.000000e+00 : f32
    %broadcast_in_dim3A_40 = vector.broadcast %jit3A_39 : f32 to vector<8x18xf32>
    %select_n3A_41 = arith.select %lt3A_34, %scan3A_32#2, %broadcast_in_dim3A_40 : vector<8x18xi1>, vector<8x18xf32>
    %jit3A_42 = arith.constant 0.000000e+00 : f32
    %broadcast_in_dim3A_43 = vector.broadcast %jit3A_42 : f32 to vector<8x18xf32>
    %select_n3A_44 = arith.select %lt3A_34, %scan3A_32#3, %broadcast_in_dim3A_43 : vector<8x18xi1>, vector<8x18xf32>
    %jit3A_45 = arith.constant 0.000000e+00 : f32
    %broadcast_in_dim3A_46 = vector.broadcast %jit3A_45 : f32 to vector<8x18xf32>
    %select_n3A_47 = arith.select %lt3A_34, %scan3A_32#4, %broadcast_in_dim3A_46 : vector<8x18xi1>, vector<8x18xf32>
    %reduce_min3A = vector.shape_cast %scan3A_32#5 : vector<8x1xi32> to vector<1x8x1xi32>
    %reduce_min3A_48 = arith.constant dense<2147483647> : vector<1xi32>
    %reduce_min3A_49 = vector.multi_reduction <minsi>, %reduce_min3A, %reduce_min3A_48 [1, 2] : vector<1x8x1xi32> to vector<1xi32>
    %reduce_min3A_50 = vector.shape_cast %reduce_min3A_49 : vector<1xi32> to vector<1x1x1xi32>
    %reduce_min3A_51 = vector.extract %reduce_min3A_50[0, 0, 0] : i32 from vector<1x1x1xi32>
    %sub3A_52 = arith.constant 18 : i32
    %sub3A_53 = arith.subi %sub3A_52, %reduce_min3A_51 : i32
    %while3A = arith.constant 0 : i32
    %while3A_54 = arith.subi %sub3A_53, %while3A : i32
    %while3A_55 = arith.addi %while3A, %while3A_54 : i32
    %while3A_56 = arith.constant 1 : i32
    %while3A_57 = arith.divsi %while3A_54, %while3A_56 : i32
    %while3A_58 = arith.muli %while3A_57, %while3A_56 : i32
    %while3A_59 = arith.addi %while3A, %while3A_58 : i32
    %while3A_60 = arith.constant 1 : i32
    %while3A_61:5 = scf.for %while3A_88 = %while3A to %while3A_59 step %while3A_60 iter_args(%while3A_89 = %select_n3A, %while3A_90 = %select_n3A_38, %while3A_91 = %select_n3A_41, %while3A_92 = %select_n3A_44, %while3A_93 = %select_n3A_47) -> (vector<8x18xf32>, vector<8x18xf32>, vector<8x18xf32>, vector<8x18xf32>, vector<8x18xf32>)  : i32 {
      %get3A_94 = arith.constant 0 : index
      %get3A_95 = arith.constant 0 : index
      %get3A_96 = vector.load %arg13[%get3A_94, %get3A_95] : memref<8x4096xi32, #tpu.memory_space<vmem>>, vector<8x4096xi32>
      %reduce_max3A = arith.constant dense<-2147483648> : vector<8xi32>
      %reduce_max3A_97 = vector.multi_reduction <maxsi>, %get3A_96, %reduce_max3A [1] : vector<8x4096xi32> to vector<8xi32>
      %broadcast_in_dim3A_98 = vector.shape_cast %reduce_max3A_97 : vector<8xi32> to vector<8x1xi32>
      %gt3A = arith.constant -2147483648 : i32
      %gt3A_99 = vector.broadcast %gt3A : i32 to vector<8x1xi32>
      %gt3A_100 = arith.cmpi sgt, %broadcast_in_dim3A_98, %gt3A_99 : vector<8x1xi32>
      %eq3A = vector.broadcast %broadcast_in_dim3A_98 : vector<8x1xi32> to vector<8x4096xi32>
      %eq3A_101 = arith.cmpi eq, %get3A_96, %eq3A : vector<8x4096xi32>
      %and3A = vector.broadcast %gt3A_100 : vector<8x1xi1> to vector<8x4096xi1>
      %and3A_102 = arith.andi %eq3A_101, %and3A : vector<8x4096xi1>
      %jit3A_103 = arith.constant 2147483647 : i32
      %broadcast_in_dim3A_104 = vector.broadcast %jit3A_103 : i32 to vector<8x4096xi32>
      %select_n3A_105 = arith.select %and3A_102, %get3A_25, %broadcast_in_dim3A_104 : vector<8x4096xi1>, vector<8x4096xi32>
      %reduce_min3A_106 = arith.constant dense<2147483647> : vector<8xi32>
      %reduce_min3A_107 = vector.multi_reduction <minsi>, %select_n3A_105, %reduce_min3A_106 [1] : vector<8x4096xi32> to vector<8xi32>
      %broadcast_in_dim3A_108 = vector.shape_cast %reduce_min3A_107 : vector<8xi32> to vector<8x1xi32>
      %eq3A_109 = vector.broadcast %broadcast_in_dim3A_108 : vector<8x1xi32> to vector<8x4096xi32>
      %eq3A_110 = arith.cmpi eq, %get3A_25, %eq3A_109 : vector<8x4096xi32>
      %and3A_111 = arith.andi %and3A_102, %eq3A_110 : vector<8x4096xi1>
      %jit3A_112 = arith.constant -2147483648 : i32
      %broadcast_in_dim3A_113 = vector.broadcast %jit3A_112 : i32 to vector<8x4096xi32>
      %select_n3A_114 = arith.select %and3A_111, %broadcast_in_dim3A_113, %get3A_96 : vector<8x4096xi1>, vector<8x4096xi32>
      %swap3A_115 = arith.constant 0 : index
      %swap3A_116 = arith.constant 0 : index
      %swap3A_117 = vector.load %arg13[%swap3A_115, %swap3A_116] : memref<8x4096xi32, #tpu.memory_space<vmem>>, vector<8x4096xi32>
      tpu.vector_store %arg13[%swap3A_115, %swap3A_116], %select_n3A_114 {strides = array<i32>} : memref<8x4096xi32, #tpu.memory_space<vmem>>, vector<8x4096xi32>,
      %add3A_118 = vector.broadcast %while3A_88 : i32 to vector<8x1xi32>
      %add3A_119 = arith.addi %scan3A_32#5, %add3A_118 : vector<8x1xi32>
      %eq3A_120 = vector.broadcast %add3A_119 : vector<8x1xi32> to vector<8x18xi32>
      %eq3A_121 = arith.cmpi eq, %iota3A, %eq3A_120 : vector<8x18xi32>
      %get3A_122 = arith.constant 0 : index
      %get3A_123 = arith.constant 0 : index
      %get3A_124 = vector.load %arg2[%get3A_122, %get3A_123] : memref<8x4096xf32, #tpu.memory_space<vmem>>, vector<8x4096xf32>
      %jit3A_125 = arith.constant 0.000000e+00 : f32
      %broadcast_in_dim3A_126 = vector.broadcast %jit3A_125 : f32 to vector<8x4096xf32>
      %select_n3A_127 = arith.select %and3A_111, %get3A_124, %broadcast_in_dim3A_126 : vector<8x4096xi1>, vector<8x4096xf32>
      %reduce_sum3A = arith.constant dense<0.000000e+00> : vector<8xf32>
      %reduce_sum3A_128 = vector.multi_reduction <add>, %select_n3A_127, %reduce_sum3A [1] : vector<8x4096xf32> to vector<8xf32>
      %broadcast_in_dim3A_129 = vector.shape_cast %reduce_sum3A_128 : vector<8xf32> to vector<8x1xf32>
      %broadcast_in_dim3A_130 = vector.shape_cast %broadcast_in_dim3A_129 : vector<8x1xf32> to vector<8x1xf32>
      %broadcast_in_dim3A_131 = vector.broadcast %broadcast_in_dim3A_130 : vector<8x1xf32> to vector<8x18xf32>
      %select_n3A_132 = arith.select %eq3A_121, %broadcast_in_dim3A_131, %while3A_89 : vector<8x18xi1>, vector<8x18xf32>
      %get3A_133 = arith.constant 0 : index
      %get3A_134 = arith.constant 0 : index
      %get3A_135 = vector.load %arg3[%get3A_133, %get3A_134] : memref<8x4096xf32, #tpu.memory_space<vmem>>, vector<8x4096xf32>
      %jit3A_136 = arith.constant 0.000000e+00 : f32
      %broadcast_in_dim3A_137 = vector.broadcast %jit3A_136 : f32 to vector<8x4096xf32>
      %select_n3A_138 = arith.select %and3A_111, %get3A_135, %broadcast_in_dim3A_137 : vector<8x4096xi1>, vector<8x4096xf32>
      %reduce_sum3A_139 = arith.constant dense<0.000000e+00> : vector<8xf32>
      %reduce_sum3A_140 = vector.multi_reduction <add>, %select_n3A_138, %reduce_sum3A_139 [1] : vector<8x4096xf32> to vector<8xf32>
      %broadcast_in_dim3A_141 = vector.shape_cast %reduce_sum3A_140 : vector<8xf32> to vector<8x1xf32>
      %broadcast_in_dim3A_142 = vector.shape_cast %broadcast_in_dim3A_141 : vector<8x1xf32> to vector<8x1xf32>
      %broadcast_in_dim3A_143 = vector.broadcast %broadcast_in_dim3A_142 : vector<8x1xf32> to vector<8x18xf32>
      %select_n3A_144 = arith.select %eq3A_121, %broadcast_in_dim3A_143, %while3A_90 : vector<8x18xi1>, vector<8x18xf32>
      %get3A_145 = arith.constant 0 : index
      %get3A_146 = arith.constant 0 : index
      %get3A_147 = vector.load %arg4[%get3A_145, %get3A_146] : memref<8x4096xf32, #tpu.memory_space<vmem>>, vector<8x4096xf32>
      %jit3A_148 = arith.constant 0.000000e+00 : f32
      %broadcast_in_dim3A_149 = vector.broadcast %jit3A_148 : f32 to vector<8x4096xf32>
      %select_n3A_150 = arith.select %and3A_111, %get3A_147, %broadcast_in_dim3A_149 : vector<8x4096xi1>, vector<8x4096xf32>
      %reduce_sum3A_151 = arith.constant dense<0.000000e+00> : vector<8xf32>
      %reduce_sum3A_152 = vector.multi_reduction <add>, %select_n3A_150, %reduce_sum3A_151 [1] : vector<8x4096xf32> to vector<8xf32>
      %broadcast_in_dim3A_153 = vector.shape_cast %reduce_sum3A_152 : vector<8xf32> to vector<8x1xf32>
      %broadcast_in_dim3A_154 = vector.shape_cast %broadcast_in_dim3A_153 : vector<8x1xf32> to vector<8x1xf32>
      %broadcast_in_dim3A_155 = vector.broadcast %broadcast_in_dim3A_154 : vector<8x1xf32> to vector<8x18xf32>
      %select_n3A_156 = arith.select %eq3A_121, %broadcast_in_dim3A_155, %while3A_91 : vector<8x18xi1>, vector<8x18xf32>
      %get3A_157 = arith.constant 0 : index
      %get3A_158 = arith.constant 0 : index
      %get3A_159 = vector.load %arg5[%get3A_157, %get3A_158] : memref<8x4096xf32, #tpu.memory_space<vmem>>, vector<8x4096xf32>
      %jit3A_160 = arith.constant 0.000000e+00 : f32
      %broadcast_in_dim3A_161 = vector.broadcast %jit3A_160 : f32 to vector<8x4096xf32>
      %select_n3A_162 = arith.select %and3A_111, %get3A_159, %broadcast_in_dim3A_161 : vector<8x4096xi1>, vector<8x4096xf32>
      %reduce_sum3A_163 = arith.constant dense<0.000000e+00> : vector<8xf32>
      %reduce_sum3A_164 = vector.multi_reduction <add>, %select_n3A_162, %reduce_sum3A_163 [1] : vector<8x4096xf32> to vector<8xf32>
      %broadcast_in_dim3A_165 = vector.shape_cast %reduce_sum3A_164 : vector<8xf32> to vector<8x1xf32>
      %broadcast_in_dim3A_166 = vector.shape_cast %broadcast_in_dim3A_165 : vector<8x1xf32> to vector<8x1xf32>
      %broadcast_in_dim3A_167 = vector.broadcast %broadcast_in_dim3A_166 : vector<8x1xf32> to vector<8x18xf32>
      %select_n3A_168 = arith.select %eq3A_121, %broadcast_in_dim3A_167, %while3A_92 : vector<8x18xi1>, vector<8x18xf32>
      %get3A_169 = arith.constant 0 : index
      %get3A_170 = arith.constant 0 : index
      %get3A_171 = vector.load %arg6[%get3A_169, %get3A_170] : memref<8x4096xf32, #tpu.memory_space<vmem>>, vector<8x4096xf32>
      %jit3A_172 = arith.constant 0.000000e+00 : f32
      %broadcast_in_dim3A_173 = vector.broadcast %jit3A_172 : f32 to vector<8x4096xf32>
      %select_n3A_174 = arith.select %and3A_111, %get3A_171, %broadcast_in_dim3A_173 : vector<8x4096xi1>, vector<8x4096xf32>
      %reduce_sum3A_175 = arith.constant dense<0.000000e+00> : vector<8xf32>
      %reduce_sum3A_176 = vector.multi_reduction <add>, %select_n3A_174, %reduce_sum3A_175 [1] : vector<8x4096xf32> to vector<8xf32>
      %broadcast_in_dim3A_177 = vector.shape_cast %reduce_sum3A_176 : vector<8xf32> to vector<8x1xf32>
      %broadcast_in_dim3A_178 = vector.shape_cast %broadcast_in_dim3A_177 : vector<8x1xf32> to vector<8x1xf32>
      %broadcast_in_dim3A_179 = vector.broadcast %broadcast_in_dim3A_178 : vector<8x1xf32> to vector<8x18xf32>
      %select_n3A_180 = arith.select %eq3A_121, %broadcast_in_dim3A_179, %while3A_93 : vector<8x18xi1>, vector<8x18xf32>
      scf.yield %select_n3A_132, %select_n3A_144, %select_n3A_156, %select_n3A_168, %select_n3A_180 : vector<8x18xf32>, vector<8x18xf32>, vector<8x18xf32>, vector<8x18xf32>, vector<8x18xf32>
    }
    %while3A_62 = arith.constant 1 : i32
    %while3A_63:5 = scf.for %while3A_88 = %while3A_59 to %while3A_55 step %while3A_62 iter_args(%while3A_89 = %while3A_61#0, %while3A_90 = %while3A_61#1, %while3A_91 = %while3A_61#2, %while3A_92 = %while3A_61#3, %while3A_93 = %while3A_61#4) -> (vector<8x18xf32>, vector<8x18xf32>, vector<8x18xf32>, vector<8x18xf32>, vector<8x18xf32>)  : i32 {
      %get3A_94 = arith.constant 0 : index
      %get3A_95 = arith.constant 0 : index
      %get3A_96 = vector.load %arg13[%get3A_94, %get3A_95] : memref<8x4096xi32, #tpu.memory_space<vmem>>, vector<8x4096xi32>
      %reduce_max3A = arith.constant dense<-2147483648> : vector<8xi32>
      %reduce_max3A_97 = vector.multi_reduction <maxsi>, %get3A_96, %reduce_max3A [1] : vector<8x4096xi32> to vector<8xi32>
      %broadcast_in_dim3A_98 = vector.shape_cast %reduce_max3A_97 : vector<8xi32> to vector<8x1xi32>
      %gt3A = arith.constant -2147483648 : i32
      %gt3A_99 = vector.broadcast %gt3A : i32 to vector<8x1xi32>
      %gt3A_100 = arith.cmpi sgt, %broadcast_in_dim3A_98, %gt3A_99 : vector<8x1xi32>
      %eq3A = vector.broadcast %broadcast_in_dim3A_98 : vector<8x1xi32> to vector<8x4096xi32>
      %eq3A_101 = arith.cmpi eq, %get3A_96, %eq3A : vector<8x4096xi32>
      %and3A = vector.broadcast %gt3A_100 : vector<8x1xi1> to vector<8x4096xi1>
      %and3A_102 = arith.andi %eq3A_101, %and3A : vector<8x4096xi1>
      %jit3A_103 = arith.constant 2147483647 : i32
      %broadcast_in_dim3A_104 = vector.broadcast %jit3A_103 : i32 to vector<8x4096xi32>
      %select_n3A_105 = arith.select %and3A_102, %get3A_25, %broadcast_in_dim3A_104 : vector<8x4096xi1>, vector<8x4096xi32>
      %reduce_min3A_106 = arith.constant dense<2147483647> : vector<8xi32>
      %reduce_min3A_107 = vector.multi_reduction <minsi>, %select_n3A_105, %reduce_min3A_106 [1] : vector<8x4096xi32> to vector<8xi32>
      %broadcast_in_dim3A_108 = vector.shape_cast %reduce_min3A_107 : vector<8xi32> to vector<8x1xi32>
      %eq3A_109 = vector.broadcast %broadcast_in_dim3A_108 : vector<8x1xi32> to vector<8x4096xi32>
      %eq3A_110 = arith.cmpi eq, %get3A_25, %eq3A_109 : vector<8x4096xi32>
      %and3A_111 = arith.andi %and3A_102, %eq3A_110 : vector<8x4096xi1>
      %jit3A_112 = arith.constant -2147483648 : i32
      %broadcast_in_dim3A_113 = vector.broadcast %jit3A_112 : i32 to vector<8x4096xi32>
      %select_n3A_114 = arith.select %and3A_111, %broadcast_in_dim3A_113, %get3A_96 : vector<8x4096xi1>, vector<8x4096xi32>
      %swap3A_115 = arith.constant 0 : index
      %swap3A_116 = arith.constant 0 : index
      %swap3A_117 = vector.load %arg13[%swap3A_115, %swap3A_116] : memref<8x4096xi32, #tpu.memory_space<vmem>>, vector<8x4096xi32>
      tpu.vector_store %arg13[%swap3A_115, %swap3A_116], %select_n3A_114 {strides = array<i32>} : memref<8x4096xi32, #tpu.memory_space<vmem>>, vector<8x4096xi32>,
      %add3A_118 = vector.broadcast %while3A_88 : i32 to vector<8x1xi32>
      %add3A_119 = arith.addi %scan3A_32#5, %add3A_118 : vector<8x1xi32>
      %eq3A_120 = vector.broadcast %add3A_119 : vector<8x1xi32> to vector<8x18xi32>
      %eq3A_121 = arith.cmpi eq, %iota3A, %eq3A_120 : vector<8x18xi32>
      %get3A_122 = arith.constant 0 : index
      %get3A_123 = arith.constant 0 : index
      %get3A_124 = vector.load %arg2[%get3A_122, %get3A_123] : memref<8x4096xf32, #tpu.memory_space<vmem>>, vector<8x4096xf32>
      %jit3A_125 = arith.constant 0.000000e+00 : f32
      %broadcast_in_dim3A_126 = vector.broadcast %jit3A_125 : f32 to vector<8x4096xf32>
      %select_n3A_127 = arith.select %and3A_111, %get3A_124, %broadcast_in_dim3A_126 : vector<8x4096xi1>, vector<8x4096xf32>
      %reduce_sum3A = arith.constant dense<0.000000e+00> : vector<8xf32>
      %reduce_sum3A_128 = vector.multi_reduction <add>, %select_n3A_127, %reduce_sum3A [1] : vector<8x4096xf32> to vector<8xf32>
      %broadcast_in_dim3A_129 = vector.shape_cast %reduce_sum3A_128 : vector<8xf32> to vector<8x1xf32>
      %broadcast_in_dim3A_130 = vector.shape_cast %broadcast_in_dim3A_129 : vector<8x1xf32> to vector<8x1xf32>
      %broadcast_in_dim3A_131 = vector.broadcast %broadcast_in_dim3A_130 : vector<8x1xf32> to vector<8x18xf32>
      %select_n3A_132 = arith.select %eq3A_121, %broadcast_in_dim3A_131, %while3A_89 : vector<8x18xi1>, vector<8x18xf32>
      %get3A_133 = arith.constant 0 : index
      %get3A_134 = arith.constant 0 : index
      %get3A_135 = vector.load %arg3[%get3A_133, %get3A_134] : memref<8x4096xf32, #tpu.memory_space<vmem>>, vector<8x4096xf32>
      %jit3A_136 = arith.constant 0.000000e+00 : f32
      %broadcast_in_dim3A_137 = vector.broadcast %jit3A_136 : f32 to vector<8x4096xf32>
      %select_n3A_138 = arith.select %and3A_111, %get3A_135, %broadcast_in_dim3A_137 : vector<8x4096xi1>, vector<8x4096xf32>
      %reduce_sum3A_139 = arith.constant dense<0.000000e+00> : vector<8xf32>
      %reduce_sum3A_140 = vector.multi_reduction <add>, %select_n3A_138, %reduce_sum3A_139 [1] : vector<8x4096xf32> to vector<8xf32>
      %broadcast_in_dim3A_141 = vector.shape_cast %reduce_sum3A_140 : vector<8xf32> to vector<8x1xf32>
      %broadcast_in_dim3A_142 = vector.shape_cast %broadcast_in_dim3A_141 : vector<8x1xf32> to vector<8x1xf32>
      %broadcast_in_dim3A_143 = vector.broadcast %broadcast_in_dim3A_142 : vector<8x1xf32> to vector<8x18xf32>
      %select_n3A_144 = arith.select %eq3A_121, %broadcast_in_dim3A_143, %while3A_90 : vector<8x18xi1>, vector<8x18xf32>
      %get3A_145 = arith.constant 0 : index
      %get3A_146 = arith.constant 0 : index
      %get3A_147 = vector.load %arg4[%get3A_145, %get3A_146] : memref<8x4096xf32, #tpu.memory_space<vmem>>, vector<8x4096xf32>
      %jit3A_148 = arith.constant 0.000000e+00 : f32
      %broadcast_in_dim3A_149 = vector.broadcast %jit3A_148 : f32 to vector<8x4096xf32>
      %select_n3A_150 = arith.select %and3A_111, %get3A_147, %broadcast_in_dim3A_149 : vector<8x4096xi1>, vector<8x4096xf32>
      %reduce_sum3A_151 = arith.constant dense<0.000000e+00> : vector<8xf32>
      %reduce_sum3A_152 = vector.multi_reduction <add>, %select_n3A_150, %reduce_sum3A_151 [1] : vector<8x4096xf32> to vector<8xf32>
      %broadcast_in_dim3A_153 = vector.shape_cast %reduce_sum3A_152 : vector<8xf32> to vector<8x1xf32>
      %broadcast_in_dim3A_154 = vector.shape_cast %broadcast_in_dim3A_153 : vector<8x1xf32> to vector<8x1xf32>
      %broadcast_in_dim3A_155 = vector.broadcast %broadcast_in_dim3A_154 : vector<8x1xf32> to vector<8x18xf32>
      %select_n3A_156 = arith.select %eq3A_121, %broadcast_in_dim3A_155, %while3A_91 : vector<8x18xi1>, vector<8x18xf32>
      %get3A_157 = arith.constant 0 : index
      %get3A_158 = arith.constant 0 : index
      %get3A_159 = vector.load %arg5[%get3A_157, %get3A_158] : memref<8x4096xf32, #tpu.memory_space<vmem>>, vector<8x4096xf32>
      %jit3A_160 = arith.constant 0.000000e+00 : f32
      %broadcast_in_dim3A_161 = vector.broadcast %jit3A_160 : f32 to vector<8x4096xf32>
      %select_n3A_162 = arith.select %and3A_111, %get3A_159, %broadcast_in_dim3A_161 : vector<8x4096xi1>, vector<8x4096xf32>
      %reduce_sum3A_163 = arith.constant dense<0.000000e+00> : vector<8xf32>
      %reduce_sum3A_164 = vector.multi_reduction <add>, %select_n3A_162, %reduce_sum3A_163 [1] : vector<8x4096xf32> to vector<8xf32>
      %broadcast_in_dim3A_165 = vector.shape_cast %reduce_sum3A_164 : vector<8xf32> to vector<8x1xf32>
      %broadcast_in_dim3A_166 = vector.shape_cast %broadcast_in_dim3A_165 : vector<8x1xf32> to vector<8x1xf32>
      %broadcast_in_dim3A_167 = vector.broadcast %broadcast_in_dim3A_166 : vector<8x1xf32> to vector<8x18xf32>
      %select_n3A_168 = arith.select %eq3A_121, %broadcast_in_dim3A_167, %while3A_92 : vector<8x18xi1>, vector<8x18xf32>
      %get3A_169 = arith.constant 0 : index
      %get3A_170 = arith.constant 0 : index
      %get3A_171 = vector.load %arg6[%get3A_169, %get3A_170] : memref<8x4096xf32, #tpu.memory_space<vmem>>, vector<8x4096xf32>
      %jit3A_172 = arith.constant 0.000000e+00 : f32
      %broadcast_in_dim3A_173 = vector.broadcast %jit3A_172 : f32 to vector<8x4096xf32>
      %select_n3A_174 = arith.select %and3A_111, %get3A_171, %broadcast_in_dim3A_173 : vector<8x4096xi1>, vector<8x4096xf32>
      %reduce_sum3A_175 = arith.constant dense<0.000000e+00> : vector<8xf32>
      %reduce_sum3A_176 = vector.multi_reduction <add>, %select_n3A_174, %reduce_sum3A_175 [1] : vector<8x4096xf32> to vector<8xf32>
      %broadcast_in_dim3A_177 = vector.shape_cast %reduce_sum3A_176 : vector<8xf32> to vector<8x1xf32>
      %broadcast_in_dim3A_178 = vector.shape_cast %broadcast_in_dim3A_177 : vector<8x1xf32> to vector<8x1xf32>
      %broadcast_in_dim3A_179 = vector.broadcast %broadcast_in_dim3A_178 : vector<8x1xf32> to vector<8x18xf32>
      %select_n3A_180 = arith.select %eq3A_121, %broadcast_in_dim3A_179, %while3A_93 : vector<8x18xi1>, vector<8x18xf32>
      scf.yield %select_n3A_132, %select_n3A_144, %select_n3A_156, %select_n3A_168, %select_n3A_180 : vector<8x18xf32>, vector<8x18xf32>, vector<8x18xf32>, vector<8x18xf32>, vector<8x18xf32>
    }
    %add3A = arith.addf %while3A_63#0, %while3A_63#2 : vector<8x18xf32>
    %mul3A_64 = arith.constant 5.000000e-01 : f32
    %mul3A_65 = vector.broadcast %mul3A_64 : f32 to vector<8x18xf32>
    %mul3A_66 = arith.mulf %add3A, %mul3A_65 : vector<8x18xf32>
    %swap3A_67 = arith.constant 0 : index
    %swap3A_68 = arith.constant 0 : index
    %swap3A_69 = vector.load %arg7[%swap3A_67, %swap3A_68] : memref<8x18xf32, #tpu.memory_space<vmem>>, vector<8x18xf32>
    tpu.vector_store %arg7[%swap3A_67, %swap3A_68], %mul3A_66 {strides = array<i32>} : memref<8x18xf32, #tpu.memory_space<vmem>>, vector<8x18xf32>,
    %add3A_70 = arith.addf %while3A_63#1, %while3A_63#3 : vector<8x18xf32>
    %mul3A_71 = arith.constant 5.000000e-01 : f32
    %mul3A_72 = vector.broadcast %mul3A_71 : f32 to vector<8x18xf32>
    %mul3A_73 = arith.mulf %add3A_70, %mul3A_72 : vector<8x18xf32>
    %swap3A_74 = arith.constant 0 : index
    %swap3A_75 = arith.constant 0 : index
    %swap3A_76 = vector.load %arg8[%swap3A_74, %swap3A_75] : memref<8x18xf32, #tpu.memory_space<vmem>>, vector<8x18xf32>
    tpu.vector_store %arg8[%swap3A_74, %swap3A_75], %mul3A_73 {strides = array<i32>} : memref<8x18xf32, #tpu.memory_space<vmem>>, vector<8x18xf32>,
    %sub3A_77 = arith.subf %while3A_63#2, %while3A_63#0 : vector<8x18xf32>
    %swap3A_78 = arith.constant 0 : index
    %swap3A_79 = arith.constant 0 : index
    %swap3A_80 = vector.load %arg9[%swap3A_78, %swap3A_79] : memref<8x18xf32, #tpu.memory_space<vmem>>, vector<8x18xf32>
    tpu.vector_store %arg9[%swap3A_78, %swap3A_79], %sub3A_77 {strides = array<i32>} : memref<8x18xf32, #tpu.memory_space<vmem>>, vector<8x18xf32>,
    %sub3A_81 = arith.subf %while3A_63#3, %while3A_63#1 : vector<8x18xf32>
    %swap3A_82 = arith.constant 0 : index
    %swap3A_83 = arith.constant 0 : index
    %swap3A_84 = vector.load %arg10[%swap3A_82, %swap3A_83] : memref<8x18xf32, #tpu.memory_space<vmem>>, vector<8x18xf32>
    tpu.vector_store %arg10[%swap3A_82, %swap3A_83], %sub3A_81 {strides = array<i32>} : memref<8x18xf32, #tpu.memory_space<vmem>>, vector<8x18xf32>,
    %swap3A_85 = arith.constant 0 : index
    %swap3A_86 = arith.constant 0 : index
    %swap3A_87 = vector.load %arg11[%swap3A_85, %swap3A_86] : memref<8x18xf32, #tpu.memory_space<vmem>>, vector<8x18xf32>
    tpu.vector_store %arg11[%swap3A_85, %swap3A_86], %while3A_63#4 {strides = array<i32>} : memref<8x18xf32, #tpu.memory_space<vmem>>, vector<8x18xf32>,
    return
  }
}

</mosaic_0001>

<sc_bundles>
// kernel: kernel.5.cloned.1.call-start
scs
__scs_entry_jumppad:
0x0: {  	(pc) =	sbr.rel $0x88, $3  }
0x1: {  	(tag) =	ssettag $0x0;
	lr =	simm.s32 $0x1  }
0x2: {  	[smem:$0x3F9F] =	sst lr;
	_ =	strace $0xD0000000  }
0x3: {  	_ = 	snop  }
0x4: {  	_ = 	snop  }
0x5: {  	_ = 	snop  }
0x6: {  	_ = 	snop  }
0x7: {  	_ = 	snop  }
__scs_overlays_trampoline_lowered:
0x8: {  	[smem:$0x3FAE] =	sst s0  }
0x9: {  	[smem:$0x3FAF] =	sst s1  }
0xa: {  	[smem:$0x3FB0] =	sst s2  }
0xb: {  	[smem:$0x3FB1] =	sst s3  }
0xc: {  	[smem:$0x3FB2] =	sst s4  }
0xd: {  	[smem:$0x3FB3] =	sst s5  }
0xe: {  	[smem:$0x3FB4] =	sst s6  }
0xf: {  	[smem:$0x3FB5] =	sst s7  }
0x10: {  	[smem:$0x3FB6] =	sst s8  }
0x11: {  	[smem:$0x3FB7] =	sst s9;
	s0 =	simm.s32 @!p0 $0x0  }
0x12: {  	s1 =	sld [smem:$0x3F9D];
	s0 =	simm.s32 @p0 $0x1  }
0x13: {  	[smem:$0x3FB8] =	sst s0;
	s0 =	simm.s32 @!p1 $0x0  }
0x14: {  	s2 =	sld [smem:$0x3F9C];
	s0 =	simm.s32 @p1 $0x1  }
0x15: {  	[smem:$0x3FB9] =	sst s0;
	s0 =	simm.s32 @!p2 $0x0  }
0x16: {  	s3 =	sld [smem:$0x3FDB];
	s0 =	simm.s32 @p2 $0x1  }
0x17: {  	s4 =	simm.s32 $0x1BF5;
	[smem:$0x3FBB] =	sst s0  }
0x18: {  	s0 =	sld [smem:$0x3F9E];
	_ =	swait.ge [sflag:s4], $0x0  }
0x19: {  	s7 =	sld [smem:$0x3F9F]  }
0x1a: {  	s8 =	sadd.s32 $0xFFFFE003, lr  }
0x1b: {  	s9 =	sadd.s32 $0xFFFFFEF7, lr;
	s5 =	simm.s32 $0xFFFFFFFF;
	p2 =	slt.u32 s8, $0xFFFFF086  }
0x1c: {  	p1 =	slt.u32 s9, $0xF7A;
	s5 =	simm.s32 @!p2 $0x0  }
0x1d: {  	s5 =	simm.s32 @p1 $0x1;
	p0 =	seq.s32 s7, s2  }
0x1e: {  	s7 =	smul.u32 @!p0 $0xF7A, s2;
	p2 =	seq.s32 @!p0 s5, $0x0  }
0x1f: {  	s9 =	smul.u32 $0xF7A, s1;
	s8 =	simm.s32 @!p0 $0x1BF5;
	p2 =	por !p2, p0  }
0x20: {  	[sflag:s8] =	ssyncset.s32 @!p0 $0xFFFFF086;
	s6 =	sadd.s32 @!p0 s3, s7;
	s7 =	simm.s32 @!p0 $0x108  }
0x21: {  	s3 =	sadd.s32 s3, s9;
	s6 =	sadd.s32 @!p0 $0x88, s6;
	s7 =	simm.s32 @p2 $0x1082  }
0x22: {  	[simem:s7], [sflag:s8] =	dma.local @!p0 [hbm:s6], $0xF7A  }
0x23: {  	s9 =	sor.u32 $0xD0000000, s2;
	s6 =	simm.s32 $0x108;
	_ =	swait.ge @!p0 [sflag:s8], $0x0  }
0x24: {  	s3 =	sadd.s32 $0x88, s3;
	s6 =	simm.s32 @!p1 $0x1082;
	[sflag:s4] =	ssyncset.s32 $0xFFFFF086  }
0x25: {  	[simem:s6], [sflag:s4] =	dma.local [hbm:s3], $0xF7A  }
0x26: {  	[smem:$0x3F9F] =	sst s1;
	(tag) =	ssettag s2;
	_ =	strace s9  }
0x27: {  	s1 =	sld [smem:$0x3FAF]  }
0x28: {  	s2 =	sld [smem:$0x3FB0]  }
0x29: {  	s4 =	sld [smem:$0x3FB2]  }
0x2a: {  	p0 =	seq.s32 s5, $0x0;
	s5 =	sld [smem:$0x3FB3]  }
0x2b: {  	s6 =	sld [smem:$0x3FB4]  }
0x2c: {  	s7 =	sld [smem:$0x3FB5]  }
0x2d: {  	s3 =	simm.s32 $0x108;
	s8 =	sld [smem:$0x3FB6]  }
0x2e: {  	s3 =	simm.s32 @!p0 $0x1082;
	s9 =	sld [smem:$0x3FB7]  }
0x2f: {  	lr =	sadd.s32 s0, s3;
	s0 =	sld [smem:$0x3FAE]  }
0x30: {  	s3 =	sld [smem:$0x3FB1]  }
0x31: {  	[smem:$0x3FBA] =	sst s10  }
0x32: {  	s10 =	sld [smem:$0x3FB8];
	_ =	sdelay $0x3  }
0x33: {  	p0 =	seq.s32 s10, $0x1;
	s10 =	sld [smem:$0x3FBA];
	_ =	sdelay $0x3  }
0x34: {  	[smem:$0x3FBA] =	sst s10  }
0x35: {  	s10 =	sld [smem:$0x3FB9];
	_ =	sdelay $0x3  }
0x36: {  	p1 =	seq.s32 s10, $0x1;
	s10 =	sld [smem:$0x3FBA];
	_ =	sdelay $0x3  }
0x37: {  	[smem:$0x3FBA] =	sst s10  }
0x38: {  	s10 =	sld [smem:$0x3FBB]  }
0x39: {  	_ = 	snop;
	(pc) =	sbr.ind lr, $3  }
0x3a: {  	_ = 	snop  }
0x3b: {  	_ = 	snop  }
0x3c: {  	p2 =	seq.s32 s10, $0x1;
	s10 =	sld [smem:$0x3FBA]  }
0x3d: {  	_ =	shalt  }
0x3e: {  	_ =	shalt  }
0x3f: {  	_ =	shalt  }
0x40: {  	_ =	shalt  }
0x41: {  	_ =	shalt  }
0x42: {  	_ =	shalt  }
0x43: {  	_ =	shalt  }
0x44: {  	_ =	shalt  }
0x45: {  	_ =	shalt  }
0x46: {  	_ =	shalt  }
0x47: {  	_ =	shalt  }
0x48: {  	_ =	shalt  }
0x49: {  	_ =	shalt  }
0x4a: {  	_ =	shalt  }
0x4b: {  	_ =	shalt  }
0x4c: {  	_ =	shalt  }
0x4d: {  	_ =	shalt  }
0x4e: {  	_ =	shalt  }
0x4f: {  	_ =	shalt  }
0x50: {  	_ =	shalt  }
0x51: {  	_ =	shalt  }
0x52: {  	_ =	shalt  }
0x53: {  	_ =	shalt  }
0x54: {  	_ =	shalt  }
0x55: {  	_ =	shalt  }
0x56: {  	_ =	shalt  }
0x57: {  	_ =	shalt  }
0x58: {  	_ =	shalt  }
0x59: {  	_ =	shalt  }
0x5a: {  	_ =	shalt  }
0x5b: {  	_ =	shalt  }
0x5c: {  	_ =	shalt  }
0x5d: {  	_ =	shalt  }
0x5e: {  	_ =	shalt  }
0x5f: {  	_ =	shalt  }
0x60: {  	_ =	shalt  }
0x61: {  	_ =	shalt  }
0x62: {  	_ =	shalt  }
0x63: {  	_ =	shalt  }
0x64: {  	_ =	shalt  }
0x65: {  	_ =	shalt  }
0x66: {  	_ =	shalt  }
0x67: {  	_ =	shalt  }
0x68: {  	_ =	shalt  }
0x69: {  	_ =	shalt  }
0x6a: {  	_ =	shalt  }
0x6b: {  	_ =	shalt  }
0x6c: {  	_ =	shalt  }
0x6d: {  	_ =	shalt  }
0x6e: {  	_ =	shalt  }
0x6f: {  	_ =	shalt  }
0x70: {  	_ =	shalt  }
0x71: {  	_ =	shalt  }
0x72: {  	_ =	shalt  }
0x73: {  	_ =	shalt  }
0x74: {  	_ =	shalt  }
0x75: {  	_ =	shalt  }
0x76: {  	_ =	shalt  }
0x77: {  	_ =	shalt  }
0x78: {  	_ =	shalt  }
0x79: {  	_ =	shalt  }
0x7a: {  	_ =	shalt  }
0x7b: {  	_ =	shalt  }
0x7c: {  	_ =	shalt  }
0x7d: {  	_ =	shalt  }
0x7e: {  	_ =	shalt  }
0x7f: {  	_ =	shalt  }
0x80: {  	_ =	shalt  }
0x81: {  	_ =	shalt  }
0x82: {  	_ =	shalt  }
0x83: {  	_ =	shalt  }
0x84: {  	_ =	shalt  }
0x85: {  	_ =	shalt  }
0x86: {  	_ =	shalt  }
0x87: {  	_ =	shalt  }
.Lfunc_end0:
.L_simem_size_0:
called_computation_lowered:
.L_overlay_start_0:
0x88: {  	s2 =	sld [smem:$0x3FD9]  }
0x89: {  	s3 =	sld [smem:$0x3FFE];
	_ =	sdelay $0x1  }
0x8a: {  	s1 =	srdreg.scid  }
0x8b: {  	s0 =	sand.u32 $0x1, s1  }
0x8c: {  	s16 =	sshll.u32 s0, $0xA;
	s2 =	sadd.s32 s3, s2  }
0x8d: {  	s2 =	sadd.s32 s2, s16  }
0x8e: {  	[smem:$0x3FC6] =	sst s2  }
0x8f: {  	_ = 	snop  }
0x90: {  	(tm) =	ssettm $0x1  }
0x91: {  	s17 =	sld [smem:$0x3FFB];
	_ =	sdelay $0x3  }
0x92: {  	_ =	strace s17  }
0x93: {  	s2 =	sld [smem:$0x3FFC];
	_ =	sdelay $0x3  }
0x94: {  	_ =	strace s2  }
0x95: {  	s2 =	sld [smem:$0x3FFD];
	_ =	sdelay $0x3  }
0x96: {  	_ =	strace s2  }
0x97: {  	_ =	strace $0x8FFFFFFF  }
0x98: {  	s18 =	sld [smem:$0x3FDB];
	_ =	sdelay $0x1  }
0x99: {  	s19 =	simm.s32 $_scs_section_size  }
0x9a: {  	s4 =	simm.s32 $_size__tile_overlayer_lowered;
	s5 =	simm.s32 $_tile_overlayer_lowered  }
0x9b: {  	s22 =	simm.s32 $0x1BFF;
	s21 =	sshll.u32 s5, $0x1;
	s2 =	sadd.s32 s19, s18  }
0x9c: {  	s6 =	simm.s32 $0x0;
	s20 =	sshll.u32 s4, $0x1;
	s4 =	sadd.s32 s21, s2  }
0x9d: {  	[timem:s6], [sflag:s22] =	dma.local [hbm:s4], s20  }
0x9e: {  	_ =	swait.ge [sflag:s22], s20  }
0x9f: {  	s3 =	ssub.s32 $0x0, s20;
	[sflag:s22] =	ssyncset.done $0x0  }
0xa0: {  	[sflag:s22] =	ssyncadd.s32 s3;
	_ =	sdelay $0x1  }
0xa1: {  	s23 =	simm.s32 $0x1B8B  }
0xa2: {  	_ =	swait.ge [sflag:s23], $0x1  }
0xa3: {  	[sflag:s23] =	ssyncset.done $0x0  }
0xa4: {  	s25 =	simm.s32 $0x1B8E;
	s24 =	sld [smem:$0x3FFE];
	[sflag:s23] =	ssyncadd.s32 $0xFFFFFFFF  }
0xa5: {  	s26 =	simm.s32 $execute0_lowered;
	[smem:$0x3FD2] =	sst s25  }
0xa6: {  	s4 =	sshll.u32 s26, $0x1;
	_ =	strace $0x80000046;
	[dreg:$0x1] =	wrdreg $0xFFFFFFFF  }
0xa7: {  	s28 =	simm.s32 $_size_execute0_lowered;
	s2 =	sadd.s32 s2, s4;
	[dreg:$0x0] =	wrdreg $0x0  }
0xa8: {  	s4 =	sshll.u32 s28, $0x1;
	[dreg:$0x2] =	wrdreg s2  }
0xa9: {  	[dreg:$0x3] =	wrdreg s4  }
0xaa: {  	[dreg:$0x4] =	wrdreg $0xC0  }
0xab: {  	_ =	task [dreg:s6], $0x5FFFF  }
0xac: {  	[dreg:$0x1] =	wrdreg $0xFFFFFFFF  }
0xad: {  	[dreg:$0x0] =	wrdreg $0x60  }
0xae: {  	[dreg:$0x2] =	wrdreg s24  }
0xaf: {  	[dreg:$0x3] =	wrdreg $0x9  }
0xb0: {  	_ =	task.clear_ibuf [dreg:s6], $0x4FFFF;
	_ =	strace $0x90000046  }
0xb1: {  	s29 =	simm.s32 $0x9;
	_ =	strace $0x80000048  }
0xb2: {  	_ =	swait.ge [sflag:s29], $0x1  }
0xb3: {  	[sflag:s29] =	ssyncadd.s32 $0xFFFFFFFF  }
0xb4: {  	_ =	strace $0x90000048  }
0xb5: {  	_ =	sfence  }
0xb6: {  	s30 =	sld [smem:$0x0];
	_ =	sdelay $0x2  }
0xb7: {  	s31 =	sshll.u32 s1, $0xD;
	s1 =	sshrl.u32 s1, $0x2  }
0xb8: {  	s3 =	sand.u32 $0x4000, s31;
	s1 =	sadd.s32 s1, s30  }
0xb9: {  	s0 =	sor.u32 s3, s0;
	s1 =	sshll.u32 s1, $0x11  }
0xba: {  	s0 =	sor.u32 s1, s0  }
0xbb: {  	s0 =	sadd.s32 $0x8F2B, s0  }
0xbc: {  	[sflag:s0] =	ssyncadd.remote.s32 $0x1  }
0xbd: {  	_ =	sfence.sel $0xFFFF  }
0xbe: {  	[dreg:$0x0] =	wrdreg $0xFFFFFFFF;
	(pc) =	sbr.abs _section_cstart, $3  }
0xbf: {  	[dreg:$0x1] =	wrdreg $0xFFFFFFFF  }
0xc0: {  	_ =	task.clear_ibuf [dreg:s6], $0x2FFFF;
	_ =	strace $0x9FFFFFFF  }
0xc1: {  	(tm) =	ssettm $0x7FFFFFFF  }
tec
execute0_lowered:
.L_overlay_start_1:
0x0: {  	(tag) =	ssettag $0x1  }
0x1: {  	s10 =	stileid.u32;
	s0 =	srdreg.scid  }
0x2: {  	s4 =	rddreg [dreg:$0x0];
	s2 =	simm.s32 $0x0;
	s18 =	simm.s32 $0x1  }
0x3: {  	s23 =	simm.s32 $0x6B80;
	s24 =	simm.s32 $0x8100;
	s25 =	simm.s32 $0x8500  }
0x4: {  	s28 =	simm.s32 $0x8D00;
	s29 =	simm.s32 $0x9100;
	s30 =	simm.s32 $0x9500  }
0x5: {  	s31 =	simm.s32 $0x9900;
	s1 =	sshll.u32 s10, $0x1;
	s0 =	sand.u32 $0x1, s0  }
0x6: {  	s3 =	sshrl.u32 s10, $0x1;
	[smem:$0x7FF] =	sst s2;
	s12 =	sand.u32 $0x1, s10  }
0x7: {  	s1 =	sand.u32 $0x2, s1;
	s6 =	smul.u32 $0x5600, s3;
	_ =	strace $0x80000047  }
0x8: {  	s3 =	sshll.u32 s3, $0x9;
	s26 =	ssub.s32 $0x2, s0;
	s17 =	smul.u32 $0x2B00, s12  }
0x9: {  	s1 =	sor.u32 s0, s1;
	s7 =	sshrl.u32 s26, $0x1;
	s0 =	smul.u32 $0x1580, s0  }
0xa: {  	s5 =	smul.u32 $0x1580, s1;
	s1 =	sshll.u32 s1, $0x7;
	s16 =	ssub.s32 s26, s7  }
0xb: {  	s26 =	simm.s32 $0x8900;
	s1 =	sor.u32 s3, s1;
	s16 =	smax.u32 s16, $0x1  }
0xc: {  	s0 =	sadd.s32 s0, s17;
	s5 =	sadd.s32 s6, s5;
	s1 =	sadd.s32 s1, s4  }
0xd: {  	s5 =	sshrl.u32 s5, $0x3;
	s9 =	sadd.s32 $0x20400, s1;
	s10 =	sadd.s32 $0x21400, s1  }
0xe: {  	s11 =	sadd.s32 $0x22400, s1;
	s12 =	sadd.s32 $0x23400, s1;
	s13 =	sadd.s32 $0x24400, s1  }
0xf: {  	s14 =	sadd.s32 $0x25400, s1;
	s15 =	sadd.s32 $0x26400, s1;
	s3 =	sadd.s32 s4, s5  }
0x10: {  	s1 =	simm.s32 $0x0;
	s4 =	sadd.s32 $0x5600, s3;
	s5 =	sadd.s32 $0xAC00, s3  }
0x11: {  	v0 =	vimm.s32 $0x80000000;
	v1 =	vimm.s32 $0x0;
	v2 =	vlaneseq.u32;
	s6 =	sadd.s32 $0x10200, s3;
	s7 =	sadd.s32 $0x15800, s3;
	s8 =	sadd.s32 $0x1AE00, s3  }
.LBB2_1:
0x12: {  	[tilespmem:s2], [sflag:$0x1] =	stream.linear.gather [hbm4b:s4+s2], $0x1580, $0x38;
	[tilespmem:$0x9D00] =	vst v63  }
0x13: {  	_ =	swait.ge [sflag:s18], $0x1580  }
0x14: {  	[sflag:s18] =	ssyncset.done $0x0  }
0x15: {  	s17 =	simm.s32 $0x1580;
	[sflag:s18] =	ssyncadd.s32 $0xFFFFEA80  }
0x16: {  	[tilespmem:s17], [sflag:$0x1] =	stream.linear.gather [hbm4b:s5+s2], $0x1580, $0x38;
	[tilespmem:$0x9D00] =	vst v63  }
0x17: {  	_ =	swait.ge [sflag:s18], $0x1580  }
0x18: {  	[sflag:s18] =	ssyncset.done $0x0  }
0x19: {  	s20 =	simm.s32 $0x2B00;
	[sflag:s18] =	ssyncadd.s32 $0xFFFFEA80  }
0x1a: {  	[tilespmem:s20], [sflag:$0x1] =	stream.linear.gather [hbm4b:s6+s2], $0x1580, $0x38;
	[tilespmem:$0x9D00] =	vst v63  }
0x1b: {  	_ =	swait.ge [sflag:s18], $0x1580  }
0x1c: {  	[sflag:s18] =	ssyncset.done $0x0  }
0x1d: {  	s21 =	simm.s32 $0x4080;
	[sflag:s18] =	ssyncadd.s32 $0xFFFFEA80  }
0x1e: {  	[tilespmem:s21], [sflag:$0x1] =	stream.linear.gather [hbm4b:s7+s2], $0x1580, $0x38;
	[tilespmem:$0x9D00] =	vst v63  }
0x1f: {  	_ =	swait.ge [sflag:s18], $0x1580  }
0x20: {  	[sflag:s18] =	ssyncset.done $0x0  }
0x21: {  	s22 =	simm.s32 $0x5600;
	[sflag:s18] =	ssyncadd.s32 $0xFFFFEA80  }
0x22: {  	[tilespmem:s22], [sflag:$0x1] =	stream.linear.gather [hbm4b:s8+s2], $0x1580, $0x38;
	[tilespmem:$0x9D00] =	vst v63  }
0x23: {  	_ =	swait.ge [sflag:s18], $0x1580  }
0x24: {  	[sflag:s18] =	ssyncset.done $0x0  }
0x25: {  	[sflag:s18] =	ssyncadd.s32 $0xFFFFEA80  }
0x26: {  	[tilespmem:s23], [sflag:$0x1] =	stream.linear.gather [hbm4b:s3+s2], $0x1580, $0x38;
	[tilespmem:$0x9D00] =	vst v63  }
0x27: {  	_ =	swait.ge [sflag:s18], $0x1580  }
0x28: {  	[sflag:s18] =	ssyncset.done $0x0  }
0x29: {  	s17 =	simm.s32 $0x0;
	[sflag:s18] =	ssyncadd.s32 $0xFFFFEA80  }
.LBB2_2:
0x2a: {  	p0 =	sne.s32 s17, $0xFC0  }
.Ltmp0:
0x2b: {  	_ = 	snop;
	(pc) =	sbr.rel @p0 .LBB2_2-.Ltmp0, $3  }
0x2c: {  	_ =	sdelay $0x1  }
0x2d: {  	s19 =	sshra.s32 s17, $0x2  }
0x2e: {  	s17 =	sadd.s32 $0x40, s17;
	[tilespmem:s19+$0x8100] =	vst v0  }
0x2f: {  	s19 =	simm.s32 $0x0  }
0x30: {  	v4 =	vld [tilespmem:s19+$0x0]  }
0x31: {  	v3 =	vimm.s32 $0x0;
	s17 =	simm.s32 $0x40  }
.LBB2_4:
0x32: {  	p0 =	sne.s32 s17, $0x55C0  }
.Ltmp1:
0x33: {  	_ = 	snop;
	(pc) =	sbr.rel @p0 .LBB2_4-.Ltmp1, $4  }
0x34: {  	_ = 	snop  }
0x35: {  	s19 =	sshra.s32 s17, $0x2;
	s17 =	sadd.s32 $0x40, s17;
	vm0 =	vne.s32 v4, $0x80000000  }
0x36: {  	v4 =	vld [tilespmem:s19+$0x0];
	v5 =	vsel vm0, $0x1, v1  }
0x37: {  	v3 =	vadd.s32 v5, v3  }
0x38: {  	_ =	sdelay $0x2  }
0x39: {  	vm0 =	vne.s32 v4, $0x80000000  }
0x3a: {  	v4 =	vsel vm0, $0x1, v1  }
0x3b: {  	v3 =	vadd.s32 v4, v3  }
0x3c: {  	s17 =	simm.s32 $0x0;
	(xrf0) =	vadd.scan.msk.s32 $0xffff, v3  }
0x3d: {  	v5 =	vld [tilespmem:s17+$0x0];
	_ =	sdelay $0x4  }
0x3e: {  	vm0 =	vne.s32 v5, $0x80000000;
	v4, _, _ =	vpop (xrf0)  }
0x3f: {  	v4 =	vsub.s32 v4, v3;
	_ =	sdelay $0x4  }
0x40: {  	v3 =	vor.u32 s0, v2;
	[tilespmem:v4+s24+$0x0] =	vst.idx.msk vm0, v5  }
0x41: {  	[tilespmem:v4+s25+$0x0] =	vst.idx.msk vm0, v3  }
0x42: {  	v3 =	vld [tilespmem:s17+$0x1580];
	_ =	sdelay $0x4  }
0x43: {  	[tilespmem:v4+s26+$0x0] =	vst.idx.msk vm0, v3  }
0x44: {  	v3 =	vld [tilespmem:s17+$0x2B00];
	_ =	sdelay $0x4  }
0x45: {  	[tilespmem:v4+s28+$0x0] =	vst.idx.msk vm0, v3  }
0x46: {  	v3 =	vld [tilespmem:s17+$0x4080];
	_ =	sdelay $0x4  }
0x47: {  	[tilespmem:v4+s29+$0x0] =	vst.idx.msk vm0, v3  }
0x48: {  	v3 =	vld [tilespmem:s17+$0x5600];
	_ =	sdelay $0x4  }
0x49: {  	v5 =	vsel vm0, $0x1, v1;
	[tilespmem:v4+s30+$0x0] =	vst.idx.msk vm0, v3  }
0x4a: {  	s19 =	simm.s32 $0x40;
	s20 =	simm.s32 $0x80;
	v3 =	vadd.s32 v5, v4;
	v5 =	vld [tilespmem:s17+$0x6B80];
	s17 =	smov.u32 s0  }
.LBB2_6:
0x4b: {  	_ =	sdelay $0x2  }
0x4c: {  	s21 =	sshra.s32 s19, $0x2  }
0x4d: {  	s17 =	sadd.s32 $0x10, s17;
	s19 =	smov.u32 s20;
	s22 =	sadd.s32 $0x40, s20;
	[tilespmem:v4+s31+$0x0] =	vst.idx.msk vm0, v5;
	v4 =	vmov v3  }
0x4e: {  	p0 =	sne.s32 s20, $0x55C0;
	v5 =	vld [tilespmem:s21+$0x0];
	_ =	sdelay $0x4  }
0x4f: {  	vm0 =	vne.s32 v5, $0x80000000  }
0x50: {  	v6 =	vsel vm0, $0x1, v1  }
0x51: {  	v3 =	vadd.s32 v6, v3;
	_ =	sdelay $0x3  }
0x52: {  	v6 =	vor.u32 s17, v2;
	[tilespmem:v4+s24+$0x0] =	vst.idx.msk vm0, v5  }
0x53: {  	[tilespmem:v4+s25+$0x0] =	vst.idx.msk vm0, v6  }
0x54: {  	v5 =	vld [tilespmem:s21+$0x1580];
	_ =	sdelay $0x4  }
0x55: {  	[tilespmem:v4+s26+$0x0] =	vst.idx.msk vm0, v5  }
0x56: {  	v5 =	vld [tilespmem:s21+$0x2B00];
	_ =	sdelay $0x4  }
0x57: {  	[tilespmem:v4+s28+$0x0] =	vst.idx.msk vm0, v5  }
0x58: {  	v5 =	vld [tilespmem:s21+$0x4080];
	_ =	sdelay $0x4  }
0x59: {  	[tilespmem:v4+s29+$0x0] =	vst.idx.msk vm0, v5  }
0x5a: {  	v5 =	vld [tilespmem:s21+$0x5600];
	_ =	sdelay $0x1  }
.Ltmp2:
0x5b: {  	(pc) =	sbr.rel @p0 .LBB2_6-.Ltmp2, $3  }
0x5c: {  	_ =	sdelay $0x1  }
0x5d: {  	[tilespmem:v4+s30+$0x0] =	vst.idx.msk vm0, v5  }
0x5e: {  	s20 =	smov.u32 s22;
	v5 =	vld [tilespmem:s21+$0x6B80]  }
0x5f: {  	_ =	sdelay $0x4  }
0x60: {  	s19 =	sshra.s32 s19, $0x2;
	[tilespmem:v4+s31+$0x0] =	vst.idx.msk vm0, v5  }
0x61: {  	v4 =	vld [tilespmem:s19+$0x0];
	_ =	sdelay $0x4  }
0x62: {  	vm15 =	vne.s32 v4, $0x80000000;
	_ =	sdelay $0x4  }
0x63: {  	s17 =	sadd.s32 $0x10, s17  }
0x64: {  	v63 =	vor.u32 s17, v2;
	[tilespmem:v3+s24+$0x0] =	vst.idx.msk vm15, v4  }
0x65: {  	[tilespmem:v3+s25+$0x0] =	vst.idx.msk vm15, v63  }
0x66: {  	v4 =	vld [tilespmem:s19+$0x1580];
	_ =	sdelay $0x4  }
0x67: {  	[tilespmem:v3+s26+$0x0] =	vst.idx.msk vm15, v4  }
0x68: {  	v4 =	vld [tilespmem:s19+$0x2B00];
	_ =	sdelay $0x4  }
0x69: {  	[tilespmem:v3+s28+$0x0] =	vst.idx.msk vm15, v4  }
0x6a: {  	v4 =	vld [tilespmem:s19+$0x4080];
	_ =	sdelay $0x4  }
0x6b: {  	[tilespmem:v3+s29+$0x0] =	vst.idx.msk vm15, v4  }
0x6c: {  	v4 =	vld [tilespmem:s19+$0x5600];
	_ =	sdelay $0x4  }
0x6d: {  	[tilespmem:v3+s30+$0x0] =	vst.idx.msk vm15, v4  }
0x6e: {  	v4 =	vld [tilespmem:s19+$0x6B80];
	_ =	sdelay $0x4  }
0x6f: {  	[tilespmem:v3+s31+$0x0] =	vst.idx.msk vm15, v4  }
0x70: {  	[hbm4b:s9+s2] =	stream.linear.scatter [tilespmem:s24], [sflag:$0x1], $0x400, $0x38;
	[tilespmem:$0x9D00] =	vst v63  }
0x71: {  	_ =	swait.ge [sflag:s18], $0x400  }
0x72: {  	[sflag:s18] =	ssyncset.done $0x0  }
0x73: {  	[sflag:s18] =	ssyncadd.s32 $0xFFFFFC00  }
0x74: {  	[hbm4b:s10+s2] =	stream.linear.scatter [tilespmem:s25], [sflag:$0x1], $0x400, $0x38;
	[tilespmem:$0x9D00] =	vst v63  }
0x75: {  	_ =	swait.ge [sflag:s18], $0x400  }
0x76: {  	[sflag:s18] =	ssyncset.done $0x0  }
0x77: {  	[sflag:s18] =	ssyncadd.s32 $0xFFFFFC00  }
0x78: {  	[hbm4b:s11+s2] =	stream.linear.scatter [tilespmem:s26], [sflag:$0x1], $0x400, $0x38;
	[tilespmem:$0x9D00] =	vst v63  }
0x79: {  	_ =	swait.ge [sflag:s18], $0x400  }
0x7a: {  	[sflag:s18] =	ssyncset.done $0x0  }
0x7b: {  	[sflag:s18] =	ssyncadd.s32 $0xFFFFFC00  }
0x7c: {  	[hbm4b:s12+s2] =	stream.linear.scatter [tilespmem:s28], [sflag:$0x1], $0x400, $0x38;
	[tilespmem:$0x9D00] =	vst v63  }
0x7d: {  	_ =	swait.ge [sflag:s18], $0x400  }
0x7e: {  	[sflag:s18] =	ssyncset.done $0x0  }
0x7f: {  	[sflag:s18] =	ssyncadd.s32 $0xFFFFFC00  }
0x80: {  	[hbm4b:s13+s2] =	stream.linear.scatter [tilespmem:s29], [sflag:$0x1], $0x400, $0x38;
	[tilespmem:$0x9D00] =	vst v63  }
0x81: {  	_ =	swait.ge [sflag:s18], $0x400  }
0x82: {  	[sflag:s18] =	ssyncset.done $0x0  }
0x83: {  	[sflag:s18] =	ssyncadd.s32 $0xFFFFFC00  }
0x84: {  	[hbm4b:s14+s2] =	stream.linear.scatter [tilespmem:s30], [sflag:$0x1], $0x400, $0x38;
	[tilespmem:$0x9D00] =	vst v63  }
0x85: {  	s1 =	sadd.s32 $0x1, s1;
	_ =	swait.ge [sflag:s18], $0x400  }
0x86: {  	p0 =	sne.s32 s1, s16;
	[sflag:s18] =	ssyncset.done $0x0  }
.Ltmp3:
0x87: {  	[sflag:s18] =	ssyncadd.s32 $0xFFFFFC00;
	(pc) =	sbr.rel @p0 .LBB2_1-.Ltmp3, $4  }
0x88: {  	[hbm4b:s15+s2] =	stream.linear.scatter [tilespmem:s31], [sflag:$0x1], $0x400, $0x38;
	[tilespmem:$0x9D00] =	vst v63  }
0x89: {  	_ =	swait.ge [sflag:s18], $0x400  }
0x8a: {  	[sflag:s18] =	ssyncset.done $0x0  }
0x8b: {  	[sflag:s18] =	ssyncadd.s32 $0xFFFFFC00  }
0x8c: {  	_ =	sfence.sel $0x180000  }
0x8d: {  	[bflag:$0x0] =	sbarrier.arrive $0xFFFF  }
0x8e: {  	_ =	strace $0x90000047  }
0x8f: {  	s0 =	stileid.u32;
	[bflag:$0x2] =	sbarrier.arrive $0xFFFF  }
0x90: {  	p0 =	sne.s32 s0, $0x0;
	s0 =	rddreg [dreg:$0x1]  }
0x91: {  	s0 =	sadd.s32 @!p0 $0x100000, s0  }
0x92: {  	[sflag:s0] =	ssyncadd.tile.s32 @!p0 $0x1;
	_ =	shalt  }
.Lfunc_end2:
_tile_overlayer_lowered:
.L_overlay_start_2:
0x93: {  	(tag) =	ssettag $0x2  }
0x94: {  	s0 =	rddreg [dreg:$0x0];
	s2 =	stileid.u32  }
0x95: {  	s1 =	rddreg [dreg:$0x1];
	p0 =	sne.s32 s2, $0x0  }
0x96: {  	s3 =	rddreg [dreg:$0x2];
	[bflag:$0x3] =	sbarrier.arrive $0xFFFF;
	s2 =	simm.s32 @!p0 $0x1C01  }
0x97: {  	[timem:s3], [sflag:s2] =	dma.local @!p0 [hbm:s0], s1  }
0x98: {  	s0 =	simm.s32 @!p0 $0x1  }
0x99: {  	_ =	swait.ge @!p0 [sflag:s0], s1  }
0x9a: {  	s1 =	ssub.s32 @!p0 $0x0, s1;
	[sflag:s0] =	ssyncset.done @!p0 $0x0  }
0x9b: {  	[sflag:s0] =	ssyncadd.s32 @!p0 s1  }
0x9c: {  	[bflag:$0x3] =	sbarrier.arrive $0xFFFF  }
0x9d: {  	_ =	shalt  }

</sc_bundles>
